<compile_context>
chip_gen: v7x
topology: tpu7x:2x2x1
jax: 0.10.2.dev20260603
libtpu: 0.0.44.dev20260713+nightly
codegen_flags: <defaults>
</compile_context>

<pallas_src>
import jax
import jax.numpy as jnp
from jax import lax
from jax.experimental import pallas as pl
from jax.experimental.pallas import tpu as pltpu
from jax.experimental.pallas import tpu_sc as plsc

_B = 16
_H = 512
_W = 512
_N = 2000
_NWORK = 32
_ROWS_PER_W = (_B * _H) // _NWORK
_CH = 128
_NCHUNK = _ROWS_PER_W // _CH
_NVEC = _N // 16


def _station_loss_body(pred_hbm, tgt_hbm, rows_hbm, cols_hbm, out_hbm,
                       rows_v, cols_v, tgtb_v, slab_v, acc_v,
                       sem, slab_sem):
    cid = lax.axis_index("c")
    sid = lax.axis_index("s")
    wid = sid * 2 + cid
    b = wid // 2
    row0 = wid * _ROWS_PER_W
    h0 = (wid % 2) * _ROWS_PER_W

    cp_slab0 = pltpu.async_copy(
        pred_hbm.at[pl.ds(row0, _CH), :], slab_v, slab_sem)
    cp_r = pltpu.async_copy(rows_hbm, rows_v, sem)
    cp_c = pltpu.async_copy(cols_hbm, cols_v, sem)
    cp_t = pltpu.async_copy(tgt_hbm.at[pl.ds(b * _N, _N)], tgtb_v, sem)
    cp_r.wait()
    cp_c.wait()
    cp_t.wait()

    def pre_body(i, carry):
        base = i * 16
        r = rows_v[pl.ds(base, 16)]
        c = cols_v[pl.ds(base, 16)]
        rows_v[pl.ds(base, 16)] = ((r - (h0 - _ROWS_PER_W)) << 9) | c
        return carry

    lax.fori_loop(0, _NVEC, pre_body, 0, unroll=4)
    cp_slab0.wait()

    acc = jnp.zeros((16,), jnp.float32)
    for k in range(_NCHUNK):
        if k > 0:
            pltpu.sync_copy(pred_hbm.at[pl.ds(row0 + k * _CH, _CH), :],
                            slab_v)

        def sweep_body(i, acc, k=k):
            base = i * 16
            pk = rows_v[pl.ds(base, 16)]
            m = (pk >> 16) == (_ROWS_PER_W >> 7) + k
            x = plsc.load_gather(
                slab_v, [(pk >> 9) & (_CH - 1), pk & (_W - 1)], mask=m)
            d = jnp.abs(x - tgtb_v[pl.ds(base, 16)])
            return acc + jnp.where(m, d, 0.0)

        acc = lax.fori_loop(0, _NVEC, sweep_body, acc, unroll=8)

    acc_v[...] = acc
    pltpu.sync_copy(acc_v, out_hbm.at[wid])


def kernel(pred_images, target_runoff_values, station_rows, station_cols):
    pred2 = pred_images.reshape(_B * _H, _W)
    tgt_t = target_runoff_values[:, :_B].T.reshape(-1)

    mesh = plsc.VectorSubcoreMesh(core_axis_name="c", subcore_axis_name="s")
    partials = pl.kernel(
        _station_loss_body,
        out_type=jax.ShapeDtypeStruct((_NWORK, 16), jnp.float32),
        mesh=mesh,
        compiler_params=pltpu.CompilerParams(needs_layout_passes=False),
        scratch_types=[
            pltpu.VMEM((_N,), jnp.int32),
            pltpu.VMEM((_N,), jnp.int32),
            pltpu.VMEM((_N,), jnp.float32),
            pltpu.VMEM((_CH, _W), jnp.float32),
            pltpu.VMEM((16,), jnp.float32),
            pltpu.SemaphoreType.DMA,
            pltpu.SemaphoreType.DMA,
        ],
    )(pred2, tgt_t, station_rows, station_cols)
    return jnp.sum(partials) / (_N * _B)

# --- scband reference (transcript-rebuilt; emitter-appended) ---
"""Pipeline reference for scband-station-loss-31207232373071 (READ-ONLY COPY).

The authoritative reference and input builder live on the scoring server;
editing this copy changes nothing except your own understanding.
"""

import jax, jax.numpy as jnp
import numpy as np

B, H, W = 16, 512, 512
N_STATIONS = 2000

def setup_inputs(seed: int = 0) -> dict:
    key = jax.random.key(seed)
    k1, k2, k3, k4 = jax.random.split(key, 4)
    pred_images = jax.random.normal(k1, (B, 1, H, W), dtype=jnp.float32)
    target_runoff_values = jax.random.normal(k2, (N_STATIONS, B), dtype=jnp.float32)
    # Station pixel coordinates, derived from CSV lat/lon with resolution=1.0 and
    # lat_min=lon_min=0: row = int(lat), col = int(lon). All generated in-range,
    # so every station is 'valid' (matches the original valid-station filtering).
    station_rows = jax.random.randint(k3, (N_STATIONS,), 0, H, dtype=jnp.int32)
    station_cols = jax.random.randint(k4, (N_STATIONS,), 0, W, dtype=jnp.int32)
    return {
        'pred_images': pred_images,
        'target_runoff_values': target_runoff_values,
        'station_rows': station_rows,
        'station_cols': station_cols,
    }

def reference(pred_images, target_runoff_values, station_rows, station_cols):
    # Original torch loop (loss_type='l1', target dim==2, time_steps=None):
    #   for each valid station idx:
    #     pred_value = pred_images[:, :, row, col]               # [B, 1]
    #     target_values = target_runoff_values[idx, :B][:, None]  # [B, 1]
    #     total_loss += L1Loss(reduction='mean')(pred, target)
    #   return total_loss / valid_station_count
    # Vectorized: gather station pixels, per-station mean abs error, mean over stations.
    batch_size = pred_images.shape[0]
    pred_vals = pred_images[:, 0, station_rows, station_cols]          # [B, N]
    target_vals = target_runoff_values[:, :batch_size].T               # [B, N]
    per_station = jnp.mean(jnp.abs(pred_vals - target_vals), axis=0)   # [N]
    return jnp.mean(per_station)

if __name__ == "__main__":
    import jax
    _d = setup_inputs()
    print(jax.jit(kernel)(*tuple(_d.values())))

</pallas_src>

<mosaic_0001>
#map = affine_map<(d0, d1) -> (0, 0)>
#map1 = affine_map<(d0, d1) -> (0)>
module attributes {stable_mosaic.version = 14 : i64} {
  func.func @_station_loss_body(%arg0: i32, %arg1: i32, %arg2: memref<8192x512xf32, #tpu.memory_space<hbm>>, %arg3: memref<32000xf32, #tpu.memory_space<hbm>>, %arg4: memref<2000xi32, #tpu.memory_space<hbm>>, %arg5: memref<2000xi32, #tpu.memory_space<hbm>>, %arg6: memref<32x16xf32, #tpu.memory_space<hbm>>, %arg7: memref<2000xi32, #tpu.memory_space<vmem>>, %arg8: memref<2000xi32, #tpu.memory_space<vmem>>, %arg9: memref<2000xf32, #tpu.memory_space<vmem>>, %arg10: memref<128x512xf32, #tpu.memory_space<vmem>>, %arg11: memref<16xf32, #tpu.memory_space<vmem>>, %arg12: memref<!tpu.dma_semaphore, #tpu.memory_space<semaphore_mem>>, %arg13: memref<!tpu.dma_semaphore, #tpu.memory_space<semaphore_mem>>) attributes {dimension_semantics = [#tpu.dimension_semantics<core_parallel>, #tpu.dimension_semantics<subcore_parallel>], iteration_bounds = array<i64: 2, 16>, scalar_prefetch = 0 : i64, scratch_operands = 7 : i64, tpu.core_type = #tpu.core_type<sc_vector_subcore>, window_params = [{transform_indices = #map}, {transform_indices = #map1}, {transform_indices = #map1}, {transform_indices = #map1}, {transform_indices = #map}]} {
    %mul3A = arith.constant 2 : i32
    %mul3A_0 = arith.muli %arg1, %mul3A : i32
    %add3A = arith.addi %mul3A_0, %arg0 : i32
    %jit3A = arith.constant 2 : i32
    %div3A = arith.divsi %add3A, %jit3A : i32
    %sign3A = arith.constant 0 : i32
    %sign3A_1 = arith.cmpi sgt, %add3A, %sign3A : i32
    %sign3A_2 = arith.extui %sign3A_1 : i1 to i32
    %sign3A_3 = arith.constant 0 : i32
    %sign3A_4 = arith.cmpi slt, %add3A, %sign3A_3 : i32
    %sign3A_5 = arith.extui %sign3A_4 : i1 to i32
    %sign3A_6 = arith.subi %sign3A_2, %sign3A_5 : i32
    %sign3A_7 = arith.constant 0 : i32
    %sign3A_8 = arith.cmpi sgt, %jit3A, %sign3A_7 : i32
    %sign3A_9 = arith.extui %sign3A_8 : i1 to i32
    %sign3A_10 = arith.constant 0 : i32
    %sign3A_11 = arith.cmpi slt, %jit3A, %sign3A_10 : i32
    %sign3A_12 = arith.extui %sign3A_11 : i1 to i32
    %sign3A_13 = arith.subi %sign3A_9, %sign3A_12 : i32
    %ne3A = arith.cmpi ne, %sign3A_6, %sign3A_13 : i32
    %rem3A = arith.remsi %add3A, %jit3A : i32
    %ne3A_14 = arith.constant 0 : i32
    %ne3A_15 = arith.cmpi ne, %rem3A, %ne3A_14 : i32
    %and3A = arith.andi %ne3A, %ne3A_15 : i1
    %sub3A = arith.constant 1 : i32
    %sub3A_16 = arith.subi %div3A, %sub3A : i32
    %select_n3A = arith.select %and3A, %sub3A_16, %div3A : i32
    %mul3A_17 = arith.constant 256 : i32
    %mul3A_18 = arith.muli %add3A, %mul3A_17 : i32
    %jit3A_19 = arith.constant 2 : i32
    %eq3A = arith.constant 0 : i32
    %eq3A_20 = arith.cmpi eq, %jit3A_19, %eq3A : i32
    %jit3A_21 = arith.constant 1 : i32
    %select_n3A_22 = arith.select %eq3A_20, %jit3A_21, %jit3A_19 : i32
    %rem3A_23 = arith.remsi %add3A, %select_n3A_22 : i32
    %ne3A_24 = arith.constant 0 : i32
    %ne3A_25 = arith.cmpi ne, %rem3A_23, %ne3A_24 : i32
    %lt3A = arith.constant 0 : i32
    %lt3A_26 = arith.cmpi slt, %rem3A_23, %lt3A : i32
    %lt3A_27 = arith.constant 0 : i32
    %lt3A_28 = arith.cmpi slt, %select_n3A_22, %lt3A_27 : i32
    %ne3A_29 = arith.xori %lt3A_26, %lt3A_28 : i1
    %and3A_30 = arith.andi %ne3A_29, %ne3A_25 : i1
    %add3A_31 = arith.addi %rem3A_23, %select_n3A_22 : i32
    %select_n3A_32 = arith.select %and3A_30, %add3A_31, %rem3A_23 : i32
    %mul3A_33 = arith.constant 256 : i32
    %mul3A_34 = arith.muli %select_n3A_32, %mul3A_33 : i32
    %dma_start3A = arith.constant 0 : i32
    %dma_start3A_35 = tpu.memref_slice %arg2[%mul3A_18, %dma_start3A] : memref<8192x512xf32, #tpu.memory_space<hbm>> -> memref<128x512xf32, #tpu.memory_space<hbm>>
    %dma_start3A_36 = arith.constant 0 : i32
    %dma_start3A_37 = tpu.memref_slice %arg2[%mul3A_18, %dma_start3A_36] : memref<8192x512xf32, #tpu.memory_space<hbm>> -> memref<128x512xf32, #tpu.memory_space<hbm>>
    tpu.enqueue_dma source(%dma_start3A_37 : memref<128x512xf32, #tpu.memory_space<hbm>>) target(%arg10 : memref<128x512xf32, #tpu.memory_space<vmem>>) target_semaphore(%arg13 : memref<!tpu.dma_semaphore, #tpu.memory_space<semaphore_mem>>)
    tpu.enqueue_dma source(%arg4 : memref<2000xi32, #tpu.memory_space<hbm>>) target(%arg7 : memref<2000xi32, #tpu.memory_space<vmem>>) target_semaphore(%arg12 : memref<!tpu.dma_semaphore, #tpu.memory_space<semaphore_mem>>)
    tpu.enqueue_dma source(%arg5 : memref<2000xi32, #tpu.memory_space<hbm>>) target(%arg8 : memref<2000xi32, #tpu.memory_space<vmem>>) target_semaphore(%arg12 : memref<!tpu.dma_semaphore, #tpu.memory_space<semaphore_mem>>)
    %mul3A_38 = arith.constant 2000 : i32
    %mul3A_39 = arith.muli %select_n3A, %mul3A_38 : i32
    %dma_start3A_40 = tpu.memref_slice %arg3[%mul3A_39] : memref<32000xf32, #tpu.memory_space<hbm>> -> memref<2000xf32, #tpu.memory_space<hbm>>
    %dma_start3A_41 = tpu.memref_slice %arg3[%mul3A_39] : memref<32000xf32, #tpu.memory_space<hbm>> -> memref<2000xf32, #tpu.memory_space<hbm>>
    tpu.enqueue_dma source(%dma_start3A_41 : memref<2000xf32, #tpu.memory_space<hbm>>) target(%arg9 : memref<2000xf32, #tpu.memory_space<vmem>>) target_semaphore(%arg12 : memref<!tpu.dma_semaphore, #tpu.memory_space<semaphore_mem>>)
    tpu.wait_dma2 semaphore(%arg12 : memref<!tpu.dma_semaphore, #tpu.memory_space<semaphore_mem>>) src(%arg4 : memref<2000xi32, #tpu.memory_space<hbm>>) dst(%arg7 : memref<2000xi32, #tpu.memory_space<vmem>>)
    tpu.wait_dma2 semaphore(%arg12 : memref<!tpu.dma_semaphore, #tpu.memory_space<semaphore_mem>>) src(%arg5 : memref<2000xi32, #tpu.memory_space<hbm>>) dst(%arg8 : memref<2000xi32, #tpu.memory_space<vmem>>)
    %dma_wait3A = tpu.memref_slice %arg3[%mul3A_39] : memref<32000xf32, #tpu.memory_space<hbm>> -> memref<2000xf32, #tpu.memory_space<hbm>>
    %dma_wait3A_42 = tpu.memref_slice %arg3[%mul3A_39] : memref<32000xf32, #tpu.memory_space<hbm>> -> memref<2000xf32, #tpu.memory_space<hbm>>
    tpu.wait_dma2 semaphore(%arg12 : memref<!tpu.dma_semaphore, #tpu.memory_space<semaphore_mem>>) src(%dma_wait3A_42 : memref<2000xf32, #tpu.memory_space<hbm>>) dst(%arg9 : memref<2000xf32, #tpu.memory_space<vmem>>)
    %scan3A = arith.constant 0 : i32
    %scan3A_43 = arith.constant 0 : i32
    %scan3A_44 = arith.constant 124 : i32
    %scan3A_45 = arith.addi %scan3A_43, %scan3A_44 : i32
    %scan3A_46 = arith.constant 4 : i32
    scf.for %scan3A_380 = %scan3A_43 to %scan3A_45 step %scan3A_46  : i32 {
      %mul3A_381 = arith.constant 16 : i32
      %mul3A_382 = arith.muli %scan3A_380, %mul3A_381 : i32
      %get3A_383 = arith.index_cast %mul3A_382 : i32 to index
      %get3A_384 = tpu.vector_load %arg7[%get3A_383] {strides = array<i32>} : memref<2000xi32, #tpu.memory_space<vmem>>, vector<16xi32>,
      %get3A_385 = arith.index_cast %mul3A_382 : i32 to index
      %get3A_386 = tpu.vector_load %arg8[%get3A_385] {strides = array<i32>} : memref<2000xi32, #tpu.memory_space<vmem>>, vector<16xi32>,
      %sub3A_387 = arith.constant 256 : i32
      %sub3A_388 = arith.subi %mul3A_34, %sub3A_387 : i32
      %sub3A_389 = vector.broadcast %sub3A_388 : i32 to vector<16xi32>
      %sub3A_390 = arith.subi %get3A_384, %sub3A_389 : vector<16xi32>
      %shift_left3A_391 = arith.constant 9 : i32
      %shift_left3A_392 = vector.broadcast %shift_left3A_391 : i32 to vector<16xi32>
      %shift_left3A_393 = arith.shli %sub3A_390, %shift_left3A_392 : vector<16xi32>
      %or3A_394 = arith.ori %shift_left3A_393, %get3A_386 : vector<16xi32>
      %swap3A_395 = arith.index_cast %mul3A_382 : i32 to index
      %swap3A_396 = tpu.vector_load %arg7[%swap3A_395] {strides = array<i32>} : memref<2000xi32, #tpu.memory_space<vmem>>, vector<16xi32>,
      tpu.vector_store %arg7[%swap3A_395], %or3A_394 {strides = array<i32>} : memref<2000xi32, #tpu.memory_space<vmem>>, vector<16xi32>,
      %scan3A_397 = arith.constant 1 : i32
      %scan3A_398 = arith.addi %scan3A_380, %scan3A_397 : i32
      %mul3A_399 = arith.constant 16 : i32
      %mul3A_400 = arith.muli %scan3A_398, %mul3A_399 : i32
      %get3A_401 = arith.index_cast %mul3A_400 : i32 to index
      %get3A_402 = tpu.vector_load %arg7[%get3A_401] {strides = array<i32>} : memref<2000xi32, #tpu.memory_space<vmem>>, vector<16xi32>,
      %get3A_403 = arith.index_cast %mul3A_400 : i32 to index
      %get3A_404 = tpu.vector_load %arg8[%get3A_403] {strides = array<i32>} : memref<2000xi32, #tpu.memory_space<vmem>>, vector<16xi32>,
      %sub3A_405 = arith.constant 256 : i32
      %sub3A_406 = arith.subi %mul3A_34, %sub3A_405 : i32
      %sub3A_407 = vector.broadcast %sub3A_406 : i32 to vector<16xi32>
      %sub3A_408 = arith.subi %get3A_402, %sub3A_407 : vector<16xi32>
      %shift_left3A_409 = arith.constant 9 : i32
      %shift_left3A_410 = vector.broadcast %shift_left3A_409 : i32 to vector<16xi32>
      %shift_left3A_411 = arith.shli %sub3A_408, %shift_left3A_410 : vector<16xi32>
      %or3A_412 = arith.ori %shift_left3A_411, %get3A_404 : vector<16xi32>
      %swap3A_413 = arith.index_cast %mul3A_400 : i32 to index
      %swap3A_414 = tpu.vector_load %arg7[%swap3A_413] {strides = array<i32>} : memref<2000xi32, #tpu.memory_space<vmem>>, vector<16xi32>,
      tpu.vector_store %arg7[%swap3A_413], %or3A_412 {strides = array<i32>} : memref<2000xi32, #tpu.memory_space<vmem>>, vector<16xi32>,
      %scan3A_415 = arith.constant 2 : i32
      %scan3A_416 = arith.addi %scan3A_380, %scan3A_415 : i32
      %mul3A_417 = arith.constant 16 : i32
      %mul3A_418 = arith.muli %scan3A_416, %mul3A_417 : i32
      %get3A_419 = arith.index_cast %mul3A_418 : i32 to index
      %get3A_420 = tpu.vector_load %arg7[%get3A_419] {strides = array<i32>} : memref<2000xi32, #tpu.memory_space<vmem>>, vector<16xi32>,
      %get3A_421 = arith.index_cast %mul3A_418 : i32 to index
      %get3A_422 = tpu.vector_load %arg8[%get3A_421] {strides = array<i32>} : memref<2000xi32, #tpu.memory_space<vmem>>, vector<16xi32>,
      %sub3A_423 = arith.constant 256 : i32
      %sub3A_424 = arith.subi %mul3A_34, %sub3A_423 : i32
      %sub3A_425 = vector.broadcast %sub3A_424 : i32 to vector<16xi32>
      %sub3A_426 = arith.subi %get3A_420, %sub3A_425 : vector<16xi32>
      %shift_left3A_427 = arith.constant 9 : i32
      %shift_left3A_428 = vector.broadcast %shift_left3A_427 : i32 to vector<16xi32>
      %shift_left3A_429 = arith.shli %sub3A_426, %shift_left3A_428 : vector<16xi32>
      %or3A_430 = arith.ori %shift_left3A_429, %get3A_422 : vector<16xi32>
      %swap3A_431 = arith.index_cast %mul3A_418 : i32 to index
      %swap3A_432 = tpu.vector_load %arg7[%swap3A_431] {strides = array<i32>} : memref<2000xi32, #tpu.memory_space<vmem>>, vector<16xi32>,
      tpu.vector_store %arg7[%swap3A_431], %or3A_430 {strides = array<i32>} : memref<2000xi32, #tpu.memory_space<vmem>>, vector<16xi32>,
      %scan3A_433 = arith.constant 3 : i32
      %scan3A_434 = arith.addi %scan3A_380, %scan3A_433 : i32
      %mul3A_435 = arith.constant 16 : i32
      %mul3A_436 = arith.muli %scan3A_434, %mul3A_435 : i32
      %get3A_437 = arith.index_cast %mul3A_436 : i32 to index
      %get3A_438 = tpu.vector_load %arg7[%get3A_437] {strides = array<i32>} : memref<2000xi32, #tpu.memory_space<vmem>>, vector<16xi32>,
      %get3A_439 = arith.index_cast %mul3A_436 : i32 to index
      %get3A_440 = tpu.vector_load %arg8[%get3A_439] {strides = array<i32>} : memref<2000xi32, #tpu.memory_space<vmem>>, vector<16xi32>,
      %sub3A_441 = arith.constant 256 : i32
      %sub3A_442 = arith.subi %mul3A_34, %sub3A_441 : i32
      %sub3A_443 = vector.broadcast %sub3A_442 : i32 to vector<16xi32>
      %sub3A_444 = arith.subi %get3A_438, %sub3A_443 : vector<16xi32>
      %shift_left3A_445 = arith.constant 9 : i32
      %shift_left3A_446 = vector.broadcast %shift_left3A_445 : i32 to vector<16xi32>
      %shift_left3A_447 = arith.shli %sub3A_444, %shift_left3A_446 : vector<16xi32>
      %or3A_448 = arith.ori %shift_left3A_447, %get3A_440 : vector<16xi32>
      %swap3A_449 = arith.index_cast %mul3A_436 : i32 to index
      %swap3A_450 = tpu.vector_load %arg7[%swap3A_449] {strides = array<i32>} : memref<2000xi32, #tpu.memory_space<vmem>>, vector<16xi32>,
      tpu.vector_store %arg7[%swap3A_449], %or3A_448 {strides = array<i32>} : memref<2000xi32, #tpu.memory_space<vmem>>, vector<16xi32>,
    }
    %scan3A_47 = arith.constant 124 : i32
    %scan3A_48 = arith.addi %scan3A_43, %scan3A_47 : i32
    %mul3A_49 = arith.constant 16 : i32
    %mul3A_50 = arith.muli %scan3A_48, %mul3A_49 : i32
    %get3A = arith.index_cast %mul3A_50 : i32 to index
    %get3A_51 = tpu.vector_load %arg7[%get3A] {strides = array<i32>} : memref<2000xi32, #tpu.memory_space<vmem>>, vector<16xi32>,
    %get3A_52 = arith.index_cast %mul3A_50 : i32 to index
    %get3A_53 = tpu.vector_load %arg8[%get3A_52] {strides = array<i32>} : memref<2000xi32, #tpu.memory_space<vmem>>, vector<16xi32>,
    %sub3A_54 = arith.constant 256 : i32
    %sub3A_55 = arith.subi %mul3A_34, %sub3A_54 : i32
    %sub3A_56 = vector.broadcast %sub3A_55 : i32 to vector<16xi32>
    %sub3A_57 = arith.subi %get3A_51, %sub3A_56 : vector<16xi32>
    %shift_left3A = arith.constant 9 : i32
    %shift_left3A_58 = vector.broadcast %shift_left3A : i32 to vector<16xi32>
    %shift_left3A_59 = arith.shli %sub3A_57, %shift_left3A_58 : vector<16xi32>
    %or3A = arith.ori %shift_left3A_59, %get3A_53 : vector<16xi32>
    %swap3A = arith.index_cast %mul3A_50 : i32 to index
    %swap3A_60 = tpu.vector_load %arg7[%swap3A] {strides = array<i32>} : memref<2000xi32, #tpu.memory_space<vmem>>, vector<16xi32>,
    tpu.vector_store %arg7[%swap3A], %or3A {strides = array<i32>} : memref<2000xi32, #tpu.memory_space<vmem>>, vector<16xi32>,
    %scan3A_61 = arith.constant 125 : i32
    %dma_wait3A_62 = arith.constant 0 : i32
    %dma_wait3A_63 = tpu.memref_slice %arg2[%mul3A_18, %dma_wait3A_62] : memref<8192x512xf32, #tpu.memory_space<hbm>> -> memref<128x512xf32, #tpu.memory_space<hbm>>
    %dma_wait3A_64 = arith.constant 0 : i32
    %dma_wait3A_65 = tpu.memref_slice %arg2[%mul3A_18, %dma_wait3A_64] : memref<8192x512xf32, #tpu.memory_space<hbm>> -> memref<128x512xf32, #tpu.memory_space<hbm>>
    tpu.wait_dma2 semaphore(%arg13 : memref<!tpu.dma_semaphore, #tpu.memory_space<semaphore_mem>>) src(%dma_wait3A_65 : memref<128x512xf32, #tpu.memory_space<hbm>>) dst(%arg10 : memref<128x512xf32, #tpu.memory_space<vmem>>)
    %broadcast_in_dim3A = arith.constant 0.000000e+00 : f32
    %broadcast_in_dim3A_66 = vector.broadcast %broadcast_in_dim3A : f32 to vector<16xf32>
    %scan3A_67 = arith.constant 0 : i32
    %scan3A_68 = arith.constant 120 : i32
    %scan3A_69 = arith.addi %scan3A_67, %scan3A_68 : i32
    %scan3A_70 = arith.constant 8 : i32
    %scan3A_71 = scf.for %scan3A_380 = %scan3A_67 to %scan3A_69 step %scan3A_70 iter_args(%scan3A_381 = %broadcast_in_dim3A_66) -> (vector<16xf32>)  : i32 {
      %mul3A_382 = arith.constant 16 : i32
      %mul3A_383 = arith.muli %scan3A_380, %mul3A_382 : i32
      %get3A_384 = arith.index_cast %mul3A_383 : i32 to index
      %get3A_385 = tpu.vector_load %arg7[%get3A_384] {strides = array<i32>} : memref<2000xi32, #tpu.memory_space<vmem>>, vector<16xi32>,
      %shift_right_arithmetic3A_386 = arith.constant 16 : i32
      %shift_right_arithmetic3A_387 = vector.broadcast %shift_right_arithmetic3A_386 : i32 to vector<16xi32>
      %shift_right_arithmetic3A_388 = arith.shrsi %get3A_385, %shift_right_arithmetic3A_387 : vector<16xi32>
      %eq3A_389 = arith.constant 2 : i32
      %eq3A_390 = vector.broadcast %eq3A_389 : i32 to vector<16xi32>
      %eq3A_391 = arith.cmpi eq, %shift_right_arithmetic3A_388, %eq3A_390 : vector<16xi32>
      %shift_right_arithmetic3A_392 = arith.constant 9 : i32
      %shift_right_arithmetic3A_393 = vector.broadcast %shift_right_arithmetic3A_392 : i32 to vector<16xi32>
      %shift_right_arithmetic3A_394 = arith.shrsi %get3A_385, %shift_right_arithmetic3A_393 : vector<16xi32>
      %and3A_395 = arith.constant 127 : i32
      %and3A_396 = vector.broadcast %and3A_395 : i32 to vector<16xi32>
      %and3A_397 = arith.andi %shift_right_arithmetic3A_394, %and3A_396 : vector<16xi32>
      %and3A_398 = arith.constant 511 : i32
      %and3A_399 = vector.broadcast %and3A_398 : i32 to vector<16xi32>
      %and3A_400 = arith.andi %get3A_385, %and3A_399 : vector<16xi32>
      %gather3A_401 = tpu.vector_load_idx %arg10[%and3A_397, %and3A_400] masked %eq3A_391 : memref<128x512xf32, #tpu.memory_space<vmem>>[vector<16xi32>, vector<16xi32>], vector<16xf32>, vector<16xi1>
      %get3A_402 = arith.index_cast %mul3A_383 : i32 to index
      %get3A_403 = tpu.vector_load %arg9[%get3A_402] {strides = array<i32>} : memref<2000xf32, #tpu.memory_space<vmem>>, vector<16xf32>,
      %sub3A_404 = arith.subf %gather3A_401, %get3A_403 : vector<16xf32>
      %abs3A_405 = math.absf %sub3A_404 : vector<16xf32>
      %jit3A_406 = arith.constant 0.000000e+00 : f32
      %broadcast_in_dim3A_407 = vector.broadcast %jit3A_406 : f32 to vector<16xf32>
      %select_n3A_408 = arith.select %eq3A_391, %abs3A_405, %broadcast_in_dim3A_407 : vector<16xi1>, vector<16xf32>
      %add3A_409 = arith.addf %scan3A_381, %select_n3A_408 : vector<16xf32>
      %scan3A_410 = arith.constant 1 : i32
      %scan3A_411 = arith.addi %scan3A_380, %scan3A_410 : i32
      %mul3A_412 = arith.constant 16 : i32
      %mul3A_413 = arith.muli %scan3A_411, %mul3A_412 : i32
      %get3A_414 = arith.index_cast %mul3A_413 : i32 to index
      %get3A_415 = tpu.vector_load %arg7[%get3A_414] {strides = array<i32>} : memref<2000xi32, #tpu.memory_space<vmem>>, vector<16xi32>,
      %shift_right_arithmetic3A_416 = arith.constant 16 : i32
      %shift_right_arithmetic3A_417 = vector.broadcast %shift_right_arithmetic3A_416 : i32 to vector<16xi32>
      %shift_right_arithmetic3A_418 = arith.shrsi %get3A_415, %shift_right_arithmetic3A_417 : vector<16xi32>
      %eq3A_419 = arith.constant 2 : i32
      %eq3A_420 = vector.broadcast %eq3A_419 : i32 to vector<16xi32>
      %eq3A_421 = arith.cmpi eq, %shift_right_arithmetic3A_418, %eq3A_420 : vector<16xi32>
      %shift_right_arithmetic3A_422 = arith.constant 9 : i32
      %shift_right_arithmetic3A_423 = vector.broadcast %shift_right_arithmetic3A_422 : i32 to vector<16xi32>
      %shift_right_arithmetic3A_424 = arith.shrsi %get3A_415, %shift_right_arithmetic3A_423 : vector<16xi32>
      %and3A_425 = arith.constant 127 : i32
      %and3A_426 = vector.broadcast %and3A_425 : i32 to vector<16xi32>
      %and3A_427 = arith.andi %shift_right_arithmetic3A_424, %and3A_426 : vector<16xi32>
      %and3A_428 = arith.constant 511 : i32
      %and3A_429 = vector.broadcast %and3A_428 : i32 to vector<16xi32>
      %and3A_430 = arith.andi %get3A_415, %and3A_429 : vector<16xi32>
      %gather3A_431 = tpu.vector_load_idx %arg10[%and3A_427, %and3A_430] masked %eq3A_421 : memref<128x512xf32, #tpu.memory_space<vmem>>[vector<16xi32>, vector<16xi32>], vector<16xf32>, vector<16xi1>
      %get3A_432 = arith.index_cast %mul3A_413 : i32 to index
      %get3A_433 = tpu.vector_load %arg9[%get3A_432] {strides = array<i32>} : memref<2000xf32, #tpu.memory_space<vmem>>, vector<16xf32>,
      %sub3A_434 = arith.subf %gather3A_431, %get3A_433 : vector<16xf32>
      %abs3A_435 = math.absf %sub3A_434 : vector<16xf32>
      %jit3A_436 = arith.constant 0.000000e+00 : f32
      %broadcast_in_dim3A_437 = vector.broadcast %jit3A_436 : f32 to vector<16xf32>
      %select_n3A_438 = arith.select %eq3A_421, %abs3A_435, %broadcast_in_dim3A_437 : vector<16xi1>, vector<16xf32>
      %add3A_439 = arith.addf %add3A_409, %select_n3A_438 : vector<16xf32>
      %scan3A_440 = arith.constant 2 : i32
      %scan3A_441 = arith.addi %scan3A_380, %scan3A_440 : i32
      %mul3A_442 = arith.constant 16 : i32
      %mul3A_443 = arith.muli %scan3A_441, %mul3A_442 : i32
      %get3A_444 = arith.index_cast %mul3A_443 : i32 to index
      %get3A_445 = tpu.vector_load %arg7[%get3A_444] {strides = array<i32>} : memref<2000xi32, #tpu.memory_space<vmem>>, vector<16xi32>,
      %shift_right_arithmetic3A_446 = arith.constant 16 : i32
      %shift_right_arithmetic3A_447 = vector.broadcast %shift_right_arithmetic3A_446 : i32 to vector<16xi32>
      %shift_right_arithmetic3A_448 = arith.shrsi %get3A_445, %shift_right_arithmetic3A_447 : vector<16xi32>
      %eq3A_449 = arith.constant 2 : i32
      %eq3A_450 = vector.broadcast %eq3A_449 : i32 to vector<16xi32>
      %eq3A_451 = arith.cmpi eq, %shift_right_arithmetic3A_448, %eq3A_450 : vector<16xi32>
      %shift_right_arithmetic3A_452 = arith.constant 9 : i32
      %shift_right_arithmetic3A_453 = vector.broadcast %shift_right_arithmetic3A_452 : i32 to vector<16xi32>
      %shift_right_arithmetic3A_454 = arith.shrsi %get3A_445, %shift_right_arithmetic3A_453 : vector<16xi32>
      %and3A_455 = arith.constant 127 : i32
      %and3A_456 = vector.broadcast %and3A_455 : i32 to vector<16xi32>
      %and3A_457 = arith.andi %shift_right_arithmetic3A_454, %and3A_456 : vector<16xi32>
      %and3A_458 = arith.constant 511 : i32
      %and3A_459 = vector.broadcast %and3A_458 : i32 to vector<16xi32>
      %and3A_460 = arith.andi %get3A_445, %and3A_459 : vector<16xi32>
      %gather3A_461 = tpu.vector_load_idx %arg10[%and3A_457, %and3A_460] masked %eq3A_451 : memref<128x512xf32, #tpu.memory_space<vmem>>[vector<16xi32>, vector<16xi32>], vector<16xf32>, vector<16xi1>
      %get3A_462 = arith.index_cast %mul3A_443 : i32 to index
      %get3A_463 = tpu.vector_load %arg9[%get3A_462] {strides = array<i32>} : memref<2000xf32, #tpu.memory_space<vmem>>, vector<16xf32>,
      %sub3A_464 = arith.subf %gather3A_461, %get3A_463 : vector<16xf32>
      %abs3A_465 = math.absf %sub3A_464 : vector<16xf32>
      %jit3A_466 = arith.constant 0.000000e+00 : f32
      %broadcast_in_dim3A_467 = vector.broadcast %jit3A_466 : f32 to vector<16xf32>
      %select_n3A_468 = arith.select %eq3A_451, %abs3A_465, %broadcast_in_dim3A_467 : vector<16xi1>, vector<16xf32>
      %add3A_469 = arith.addf %add3A_439, %select_n3A_468 : vector<16xf32>
      %scan3A_470 = arith.constant 3 : i32
      %scan3A_471 = arith.addi %scan3A_380, %scan3A_470 : i32
      %mul3A_472 = arith.constant 16 : i32
      %mul3A_473 = arith.muli %scan3A_471, %mul3A_472 : i32
      %get3A_474 = arith.index_cast %mul3A_473 : i32 to index
      %get3A_475 = tpu.vector_load %arg7[%get3A_474] {strides = array<i32>} : memref<2000xi32, #tpu.memory_space<vmem>>, vector<16xi32>,
      %shift_right_arithmetic3A_476 = arith.constant 16 : i32
      %shift_right_arithmetic3A_477 = vector.broadcast %shift_right_arithmetic3A_476 : i32 to vector<16xi32>
      %shift_right_arithmetic3A_478 = arith.shrsi %get3A_475, %shift_right_arithmetic3A_477 : vector<16xi32>
      %eq3A_479 = arith.constant 2 : i32
      %eq3A_480 = vector.broadcast %eq3A_479 : i32 to vector<16xi32>
      %eq3A_481 = arith.cmpi eq, %shift_right_arithmetic3A_478, %eq3A_480 : vector<16xi32>
      %shift_right_arithmetic3A_482 = arith.constant 9 : i32
      %shift_right_arithmetic3A_483 = vector.broadcast %shift_right_arithmetic3A_482 : i32 to vector<16xi32>
      %shift_right_arithmetic3A_484 = arith.shrsi %get3A_475, %shift_right_arithmetic3A_483 : vector<16xi32>
      %and3A_485 = arith.constant 127 : i32
      %and3A_486 = vector.broadcast %and3A_485 : i32 to vector<16xi32>
      %and3A_487 = arith.andi %shift_right_arithmetic3A_484, %and3A_486 : vector<16xi32>
      %and3A_488 = arith.constant 511 : i32
      %and3A_489 = vector.broadcast %and3A_488 : i32 to vector<16xi32>
      %and3A_490 = arith.andi %get3A_475, %and3A_489 : vector<16xi32>
      %gather3A_491 = tpu.vector_load_idx %arg10[%and3A_487, %and3A_490] masked %eq3A_481 : memref<128x512xf32, #tpu.memory_space<vmem>>[vector<16xi32>, vector<16xi32>], vector<16xf32>, vector<16xi1>
      %get3A_492 = arith.index_cast %mul3A_473 : i32 to index
      %get3A_493 = tpu.vector_load %arg9[%get3A_492] {strides = array<i32>} : memref<2000xf32, #tpu.memory_space<vmem>>, vector<16xf32>,
      %sub3A_494 = arith.subf %gather3A_491, %get3A_493 : vector<16xf32>
      %abs3A_495 = math.absf %sub3A_494 : vector<16xf32>
      %jit3A_496 = arith.constant 0.000000e+00 : f32
      %broadcast_in_dim3A_497 = vector.broadcast %jit3A_496 : f32 to vector<16xf32>
      %select_n3A_498 = arith.select %eq3A_481, %abs3A_495, %broadcast_in_dim3A_497 : vector<16xi1>, vector<16xf32>
      %add3A_499 = arith.addf %add3A_469, %select_n3A_498 : vector<16xf32>
      %scan3A_500 = arith.constant 4 : i32
      %scan3A_501 = arith.addi %scan3A_380, %scan3A_500 : i32
      %mul3A_502 = arith.constant 16 : i32
      %mul3A_503 = arith.muli %scan3A_501, %mul3A_502 : i32
      %get3A_504 = arith.index_cast %mul3A_503 : i32 to index
      %get3A_505 = tpu.vector_load %arg7[%get3A_504] {strides = array<i32>} : memref<2000xi32, #tpu.memory_space<vmem>>, vector<16xi32>,
      %shift_right_arithmetic3A_506 = arith.constant 16 : i32
      %shift_right_arithmetic3A_507 = vector.broadcast %shift_right_arithmetic3A_506 : i32 to vector<16xi32>
      %shift_right_arithmetic3A_508 = arith.shrsi %get3A_505, %shift_right_arithmetic3A_507 : vector<16xi32>
      %eq3A_509 = arith.constant 2 : i32
      %eq3A_510 = vector.broadcast %eq3A_509 : i32 to vector<16xi32>
      %eq3A_511 = arith.cmpi eq, %shift_right_arithmetic3A_508, %eq3A_510 : vector<16xi32>
      %shift_right_arithmetic3A_512 = arith.constant 9 : i32
      %shift_right_arithmetic3A_513 = vector.broadcast %shift_right_arithmetic3A_512 : i32 to vector<16xi32>
      %shift_right_arithmetic3A_514 = arith.shrsi %get3A_505, %shift_right_arithmetic3A_513 : vector<16xi32>
      %and3A_515 = arith.constant 127 : i32
      %and3A_516 = vector.broadcast %and3A_515 : i32 to vector<16xi32>
      %and3A_517 = arith.andi %shift_right_arithmetic3A_514, %and3A_516 : vector<16xi32>
      %and3A_518 = arith.constant 511 : i32
      %and3A_519 = vector.broadcast %and3A_518 : i32 to vector<16xi32>
      %and3A_520 = arith.andi %get3A_505, %and3A_519 : vector<16xi32>
      %gather3A_521 = tpu.vector_load_idx %arg10[%and3A_517, %and3A_520] masked %eq3A_511 : memref<128x512xf32, #tpu.memory_space<vmem>>[vector<16xi32>, vector<16xi32>], vector<16xf32>, vector<16xi1>
      %get3A_522 = arith.index_cast %mul3A_503 : i32 to index
      %get3A_523 = tpu.vector_load %arg9[%get3A_522] {strides = array<i32>} : memref<2000xf32, #tpu.memory_space<vmem>>, vector<16xf32>,
      %sub3A_524 = arith.subf %gather3A_521, %get3A_523 : vector<16xf32>
      %abs3A_525 = math.absf %sub3A_524 : vector<16xf32>
      %jit3A_526 = arith.constant 0.000000e+00 : f32
      %broadcast_in_dim3A_527 = vector.broadcast %jit3A_526 : f32 to vector<16xf32>
      %select_n3A_528 = arith.select %eq3A_511, %abs3A_525, %broadcast_in_dim3A_527 : vector<16xi1>, vector<16xf32>
      %add3A_529 = arith.addf %add3A_499, %select_n3A_528 : vector<16xf32>
      %scan3A_530 = arith.constant 5 : i32
      %scan3A_531 = arith.addi %scan3A_380, %scan3A_530 : i32
      %mul3A_532 = arith.constant 16 : i32
      %mul3A_533 = arith.muli %scan3A_531, %mul3A_532 : i32
      %get3A_534 = arith.index_cast %mul3A_533 : i32 to index
      %get3A_535 = tpu.vector_load %arg7[%get3A_534] {strides = array<i32>} : memref<2000xi32, #tpu.memory_space<vmem>>, vector<16xi32>,
      %shift_right_arithmetic3A_536 = arith.constant 16 : i32
      %shift_right_arithmetic3A_537 = vector.broadcast %shift_right_arithmetic3A_536 : i32 to vector<16xi32>
      %shift_right_arithmetic3A_538 = arith.shrsi %get3A_535, %shift_right_arithmetic3A_537 : vector<16xi32>
      %eq3A_539 = arith.constant 2 : i32
      %eq3A_540 = vector.broadcast %eq3A_539 : i32 to vector<16xi32>
      %eq3A_541 = arith.cmpi eq, %shift_right_arithmetic3A_538, %eq3A_540 : vector<16xi32>
      %shift_right_arithmetic3A_542 = arith.constant 9 : i32
      %shift_right_arithmetic3A_543 = vector.broadcast %shift_right_arithmetic3A_542 : i32 to vector<16xi32>
      %shift_right_arithmetic3A_544 = arith.shrsi %get3A_535, %shift_right_arithmetic3A_543 : vector<16xi32>
      %and3A_545 = arith.constant 127 : i32
      %and3A_546 = vector.broadcast %and3A_545 : i32 to vector<16xi32>
      %and3A_547 = arith.andi %shift_right_arithmetic3A_544, %and3A_546 : vector<16xi32>
      %and3A_548 = arith.constant 511 : i32
      %and3A_549 = vector.broadcast %and3A_548 : i32 to vector<16xi32>
      %and3A_550 = arith.andi %get3A_535, %and3A_549 : vector<16xi32>
      %gather3A_551 = tpu.vector_load_idx %arg10[%and3A_547, %and3A_550] masked %eq3A_541 : memref<128x512xf32, #tpu.memory_space<vmem>>[vector<16xi32>, vector<16xi32>], vector<16xf32>, vector<16xi1>
      %get3A_552 = arith.index_cast %mul3A_533 : i32 to index
      %get3A_553 = tpu.vector_load %arg9[%get3A_552] {strides = array<i32>} : memref<2000xf32, #tpu.memory_space<vmem>>, vector<16xf32>,
      %sub3A_554 = arith.subf %gather3A_551, %get3A_553 : vector<16xf32>
      %abs3A_555 = math.absf %sub3A_554 : vector<16xf32>
      %jit3A_556 = arith.constant 0.000000e+00 : f32
      %broadcast_in_dim3A_557 = vector.broadcast %jit3A_556 : f32 to vector<16xf32>
      %select_n3A_558 = arith.select %eq3A_541, %abs3A_555, %broadcast_in_dim3A_557 : vector<16xi1>, vector<16xf32>
      %add3A_559 = arith.addf %add3A_529, %select_n3A_558 : vector<16xf32>
      %scan3A_560 = arith.constant 6 : i32
      %scan3A_561 = arith.addi %scan3A_380, %scan3A_560 : i32
      %mul3A_562 = arith.constant 16 : i32
      %mul3A_563 = arith.muli %scan3A_561, %mul3A_562 : i32
      %get3A_564 = arith.index_cast %mul3A_563 : i32 to index
      %get3A_565 = tpu.vector_load %arg7[%get3A_564] {strides = array<i32>} : memref<2000xi32, #tpu.memory_space<vmem>>, vector<16xi32>,
      %shift_right_arithmetic3A_566 = arith.constant 16 : i32
      %shift_right_arithmetic3A_567 = vector.broadcast %shift_right_arithmetic3A_566 : i32 to vector<16xi32>
      %shift_right_arithmetic3A_568 = arith.shrsi %get3A_565, %shift_right_arithmetic3A_567 : vector<16xi32>
      %eq3A_569 = arith.constant 2 : i32
      %eq3A_570 = vector.broadcast %eq3A_569 : i32 to vector<16xi32>
      %eq3A_571 = arith.cmpi eq, %shift_right_arithmetic3A_568, %eq3A_570 : vector<16xi32>
      %shift_right_arithmetic3A_572 = arith.constant 9 : i32
      %shift_right_arithmetic3A_573 = vector.broadcast %shift_right_arithmetic3A_572 : i32 to vector<16xi32>
      %shift_right_arithmetic3A_574 = arith.shrsi %get3A_565, %shift_right_arithmetic3A_573 : vector<16xi32>
      %and3A_575 = arith.constant 127 : i32
      %and3A_576 = vector.broadcast %and3A_575 : i32 to vector<16xi32>
      %and3A_577 = arith.andi %shift_right_arithmetic3A_574, %and3A_576 : vector<16xi32>
      %and3A_578 = arith.constant 511 : i32
      %and3A_579 = vector.broadcast %and3A_578 : i32 to vector<16xi32>
      %and3A_580 = arith.andi %get3A_565, %and3A_579 : vector<16xi32>
      %gather3A_581 = tpu.vector_load_idx %arg10[%and3A_577, %and3A_580] masked %eq3A_571 : memref<128x512xf32, #tpu.memory_space<vmem>>[vector<16xi32>, vector<16xi32>], vector<16xf32>, vector<16xi1>
      %get3A_582 = arith.index_cast %mul3A_563 : i32 to index
      %get3A_583 = tpu.vector_load %arg9[%get3A_582] {strides = array<i32>} : memref<2000xf32, #tpu.memory_space<vmem>>, vector<16xf32>,
      %sub3A_584 = arith.subf %gather3A_581, %get3A_583 : vector<16xf32>
      %abs3A_585 = math.absf %sub3A_584 : vector<16xf32>
      %jit3A_586 = arith.constant 0.000000e+00 : f32
      %broadcast_in_dim3A_587 = vector.broadcast %jit3A_586 : f32 to vector<16xf32>
      %select_n3A_588 = arith.select %eq3A_571, %abs3A_585, %broadcast_in_dim3A_587 : vector<16xi1>, vector<16xf32>
      %add3A_589 = arith.addf %add3A_559, %select_n3A_588 : vector<16xf32>
      %scan3A_590 = arith.constant 7 : i32
      %scan3A_591 = arith.addi %scan3A_380, %scan3A_590 : i32
      %mul3A_592 = arith.constant 16 : i32
      %mul3A_593 = arith.muli %scan3A_591, %mul3A_592 : i32
      %get3A_594 = arith.index_cast %mul3A_593 : i32 to index
      %get3A_595 = tpu.vector_load %arg7[%get3A_594] {strides = array<i32>} : memref<2000xi32, #tpu.memory_space<vmem>>, vector<16xi32>,
      %shift_right_arithmetic3A_596 = arith.constant 16 : i32
      %shift_right_arithmetic3A_597 = vector.broadcast %shift_right_arithmetic3A_596 : i32 to vector<16xi32>
      %shift_right_arithmetic3A_598 = arith.shrsi %get3A_595, %shift_right_arithmetic3A_597 : vector<16xi32>
      %eq3A_599 = arith.constant 2 : i32
      %eq3A_600 = vector.broadcast %eq3A_599 : i32 to vector<16xi32>
      %eq3A_601 = arith.cmpi eq, %shift_right_arithmetic3A_598, %eq3A_600 : vector<16xi32>
      %shift_right_arithmetic3A_602 = arith.constant 9 : i32
      %shift_right_arithmetic3A_603 = vector.broadcast %shift_right_arithmetic3A_602 : i32 to vector<16xi32>
      %shift_right_arithmetic3A_604 = arith.shrsi %get3A_595, %shift_right_arithmetic3A_603 : vector<16xi32>
      %and3A_605 = arith.constant 127 : i32
      %and3A_606 = vector.broadcast %and3A_605 : i32 to vector<16xi32>
      %and3A_607 = arith.andi %shift_right_arithmetic3A_604, %and3A_606 : vector<16xi32>
      %and3A_608 = arith.constant 511 : i32
      %and3A_609 = vector.broadcast %and3A_608 : i32 to vector<16xi32>
      %and3A_610 = arith.andi %get3A_595, %and3A_609 : vector<16xi32>
      %gather3A_611 = tpu.vector_load_idx %arg10[%and3A_607, %and3A_610] masked %eq3A_601 : memref<128x512xf32, #tpu.memory_space<vmem>>[vector<16xi32>, vector<16xi32>], vector<16xf32>, vector<16xi1>
      %get3A_612 = arith.index_cast %mul3A_593 : i32 to index
      %get3A_613 = tpu.vector_load %arg9[%get3A_612] {strides = array<i32>} : memref<2000xf32, #tpu.memory_space<vmem>>, vector<16xf32>,
      %sub3A_614 = arith.subf %gather3A_611, %get3A_613 : vector<16xf32>
      %abs3A_615 = math.absf %sub3A_614 : vector<16xf32>
      %jit3A_616 = arith.constant 0.000000e+00 : f32
      %broadcast_in_dim3A_617 = vector.broadcast %jit3A_616 : f32 to vector<16xf32>
      %select_n3A_618 = arith.select %eq3A_601, %abs3A_615, %broadcast_in_dim3A_617 : vector<16xi1>, vector<16xf32>
      %add3A_619 = arith.addf %add3A_589, %select_n3A_618 : vector<16xf32>
      scf.yield %add3A_619 : vector<16xf32>
    }
    %scan3A_72 = arith.constant 120 : i32
    %scan3A_73 = arith.addi %scan3A_67, %scan3A_72 : i32
    %mul3A_74 = arith.constant 16 : i32
    %mul3A_75 = arith.muli %scan3A_73, %mul3A_74 : i32
    %get3A_76 = arith.index_cast %mul3A_75 : i32 to index
    %get3A_77 = tpu.vector_load %arg7[%get3A_76] {strides = array<i32>} : memref<2000xi32, #tpu.memory_space<vmem>>, vector<16xi32>,
    %shift_right_arithmetic3A = arith.constant 16 : i32
    %shift_right_arithmetic3A_78 = vector.broadcast %shift_right_arithmetic3A : i32 to vector<16xi32>
    %shift_right_arithmetic3A_79 = arith.shrsi %get3A_77, %shift_right_arithmetic3A_78 : vector<16xi32>
    %eq3A_80 = arith.constant 2 : i32
    %eq3A_81 = vector.broadcast %eq3A_80 : i32 to vector<16xi32>
    %eq3A_82 = arith.cmpi eq, %shift_right_arithmetic3A_79, %eq3A_81 : vector<16xi32>
    %shift_right_arithmetic3A_83 = arith.constant 9 : i32
    %shift_right_arithmetic3A_84 = vector.broadcast %shift_right_arithmetic3A_83 : i32 to vector<16xi32>
    %shift_right_arithmetic3A_85 = arith.shrsi %get3A_77, %shift_right_arithmetic3A_84 : vector<16xi32>
    %and3A_86 = arith.constant 127 : i32
    %and3A_87 = vector.broadcast %and3A_86 : i32 to vector<16xi32>
    %and3A_88 = arith.andi %shift_right_arithmetic3A_85, %and3A_87 : vector<16xi32>
    %and3A_89 = arith.constant 511 : i32
    %and3A_90 = vector.broadcast %and3A_89 : i32 to vector<16xi32>
    %and3A_91 = arith.andi %get3A_77, %and3A_90 : vector<16xi32>
    %gather3A = tpu.vector_load_idx %arg10[%and3A_88, %and3A_91] masked %eq3A_82 : memref<128x512xf32, #tpu.memory_space<vmem>>[vector<16xi32>, vector<16xi32>], vector<16xf32>, vector<16xi1>
    %get3A_92 = arith.index_cast %mul3A_75 : i32 to index
    %get3A_93 = tpu.vector_load %arg9[%get3A_92] {strides = array<i32>} : memref<2000xf32, #tpu.memory_space<vmem>>, vector<16xf32>,
    %sub3A_94 = arith.subf %gather3A, %get3A_93 : vector<16xf32>
    %abs3A = math.absf %sub3A_94 : vector<16xf32>
    %jit3A_95 = arith.constant 0.000000e+00 : f32
    %broadcast_in_dim3A_96 = vector.broadcast %jit3A_95 : f32 to vector<16xf32>
    %select_n3A_97 = arith.select %eq3A_82, %abs3A, %broadcast_in_dim3A_96 : vector<16xi1>, vector<16xf32>
    %add3A_98 = arith.addf %scan3A_71, %select_n3A_97 : vector<16xf32>
    %scan3A_99 = arith.constant 121 : i32
    %scan3A_100 = arith.addi %scan3A_67, %scan3A_99 : i32
    %mul3A_101 = arith.constant 16 : i32
    %mul3A_102 = arith.muli %scan3A_100, %mul3A_101 : i32
    %get3A_103 = arith.index_cast %mul3A_102 : i32 to index
    %get3A_104 = tpu.vector_load %arg7[%get3A_103] {strides = array<i32>} : memref<2000xi32, #tpu.memory_space<vmem>>, vector<16xi32>,
    %shift_right_arithmetic3A_105 = arith.constant 16 : i32
    %shift_right_arithmetic3A_106 = vector.broadcast %shift_right_arithmetic3A_105 : i32 to vector<16xi32>
    %shift_right_arithmetic3A_107 = arith.shrsi %get3A_104, %shift_right_arithmetic3A_106 : vector<16xi32>
    %eq3A_108 = arith.constant 2 : i32
    %eq3A_109 = vector.broadcast %eq3A_108 : i32 to vector<16xi32>
    %eq3A_110 = arith.cmpi eq, %shift_right_arithmetic3A_107, %eq3A_109 : vector<16xi32>
    %shift_right_arithmetic3A_111 = arith.constant 9 : i32
    %shift_right_arithmetic3A_112 = vector.broadcast %shift_right_arithmetic3A_111 : i32 to vector<16xi32>
    %shift_right_arithmetic3A_113 = arith.shrsi %get3A_104, %shift_right_arithmetic3A_112 : vector<16xi32>
    %and3A_114 = arith.constant 127 : i32
    %and3A_115 = vector.broadcast %and3A_114 : i32 to vector<16xi32>
    %and3A_116 = arith.andi %shift_right_arithmetic3A_113, %and3A_115 : vector<16xi32>
    %and3A_117 = arith.constant 511 : i32
    %and3A_118 = vector.broadcast %and3A_117 : i32 to vector<16xi32>
    %and3A_119 = arith.andi %get3A_104, %and3A_118 : vector<16xi32>
    %gather3A_120 = tpu.vector_load_idx %arg10[%and3A_116, %and3A_119] masked %eq3A_110 : memref<128x512xf32, #tpu.memory_space<vmem>>[vector<16xi32>, vector<16xi32>], vector<16xf32>, vector<16xi1>
    %get3A_121 = arith.index_cast %mul3A_102 : i32 to index
    %get3A_122 = tpu.vector_load %arg9[%get3A_121] {strides = array<i32>} : memref<2000xf32, #tpu.memory_space<vmem>>, vector<16xf32>,
    %sub3A_123 = arith.subf %gather3A_120, %get3A_122 : vector<16xf32>
    %abs3A_124 = math.absf %sub3A_123 : vector<16xf32>
    %jit3A_125 = arith.constant 0.000000e+00 : f32
    %broadcast_in_dim3A_126 = vector.broadcast %jit3A_125 : f32 to vector<16xf32>
    %select_n3A_127 = arith.select %eq3A_110, %abs3A_124, %broadcast_in_dim3A_126 : vector<16xi1>, vector<16xf32>
    %add3A_128 = arith.addf %add3A_98, %select_n3A_127 : vector<16xf32>
    %scan3A_129 = arith.constant 122 : i32
    %scan3A_130 = arith.addi %scan3A_67, %scan3A_129 : i32
    %mul3A_131 = arith.constant 16 : i32
    %mul3A_132 = arith.muli %scan3A_130, %mul3A_131 : i32
    %get3A_133 = arith.index_cast %mul3A_132 : i32 to index
    %get3A_134 = tpu.vector_load %arg7[%get3A_133] {strides = array<i32>} : memref<2000xi32, #tpu.memory_space<vmem>>, vector<16xi32>,
    %shift_right_arithmetic3A_135 = arith.constant 16 : i32
    %shift_right_arithmetic3A_136 = vector.broadcast %shift_right_arithmetic3A_135 : i32 to vector<16xi32>
    %shift_right_arithmetic3A_137 = arith.shrsi %get3A_134, %shift_right_arithmetic3A_136 : vector<16xi32>
    %eq3A_138 = arith.constant 2 : i32
    %eq3A_139 = vector.broadcast %eq3A_138 : i32 to vector<16xi32>
    %eq3A_140 = arith.cmpi eq, %shift_right_arithmetic3A_137, %eq3A_139 : vector<16xi32>
    %shift_right_arithmetic3A_141 = arith.constant 9 : i32
    %shift_right_arithmetic3A_142 = vector.broadcast %shift_right_arithmetic3A_141 : i32 to vector<16xi32>
    %shift_right_arithmetic3A_143 = arith.shrsi %get3A_134, %shift_right_arithmetic3A_142 : vector<16xi32>
    %and3A_144 = arith.constant 127 : i32
    %and3A_145 = vector.broadcast %and3A_144 : i32 to vector<16xi32>
    %and3A_146 = arith.andi %shift_right_arithmetic3A_143, %and3A_145 : vector<16xi32>
    %and3A_147 = arith.constant 511 : i32
    %and3A_148 = vector.broadcast %and3A_147 : i32 to vector<16xi32>
    %and3A_149 = arith.andi %get3A_134, %and3A_148 : vector<16xi32>
    %gather3A_150 = tpu.vector_load_idx %arg10[%and3A_146, %and3A_149] masked %eq3A_140 : memref<128x512xf32, #tpu.memory_space<vmem>>[vector<16xi32>, vector<16xi32>], vector<16xf32>, vector<16xi1>
    %get3A_151 = arith.index_cast %mul3A_132 : i32 to index
    %get3A_152 = tpu.vector_load %arg9[%get3A_151] {strides = array<i32>} : memref<2000xf32, #tpu.memory_space<vmem>>, vector<16xf32>,
    %sub3A_153 = arith.subf %gather3A_150, %get3A_152 : vector<16xf32>
    %abs3A_154 = math.absf %sub3A_153 : vector<16xf32>
    %jit3A_155 = arith.constant 0.000000e+00 : f32
    %broadcast_in_dim3A_156 = vector.broadcast %jit3A_155 : f32 to vector<16xf32>
    %select_n3A_157 = arith.select %eq3A_140, %abs3A_154, %broadcast_in_dim3A_156 : vector<16xi1>, vector<16xf32>
    %add3A_158 = arith.addf %add3A_128, %select_n3A_157 : vector<16xf32>
    %scan3A_159 = arith.constant 123 : i32
    %scan3A_160 = arith.addi %scan3A_67, %scan3A_159 : i32
    %mul3A_161 = arith.constant 16 : i32
    %mul3A_162 = arith.muli %scan3A_160, %mul3A_161 : i32
    %get3A_163 = arith.index_cast %mul3A_162 : i32 to index
    %get3A_164 = tpu.vector_load %arg7[%get3A_163] {strides = array<i32>} : memref<2000xi32, #tpu.memory_space<vmem>>, vector<16xi32>,
    %shift_right_arithmetic3A_165 = arith.constant 16 : i32
    %shift_right_arithmetic3A_166 = vector.broadcast %shift_right_arithmetic3A_165 : i32 to vector<16xi32>
    %shift_right_arithmetic3A_167 = arith.shrsi %get3A_164, %shift_right_arithmetic3A_166 : vector<16xi32>
    %eq3A_168 = arith.constant 2 : i32
    %eq3A_169 = vector.broadcast %eq3A_168 : i32 to vector<16xi32>
    %eq3A_170 = arith.cmpi eq, %shift_right_arithmetic3A_167, %eq3A_169 : vector<16xi32>
    %shift_right_arithmetic3A_171 = arith.constant 9 : i32
    %shift_right_arithmetic3A_172 = vector.broadcast %shift_right_arithmetic3A_171 : i32 to vector<16xi32>
    %shift_right_arithmetic3A_173 = arith.shrsi %get3A_164, %shift_right_arithmetic3A_172 : vector<16xi32>
    %and3A_174 = arith.constant 127 : i32
    %and3A_175 = vector.broadcast %and3A_174 : i32 to vector<16xi32>
    %and3A_176 = arith.andi %shift_right_arithmetic3A_173, %and3A_175 : vector<16xi32>
    %and3A_177 = arith.constant 511 : i32
    %and3A_178 = vector.broadcast %and3A_177 : i32 to vector<16xi32>
    %and3A_179 = arith.andi %get3A_164, %and3A_178 : vector<16xi32>
    %gather3A_180 = tpu.vector_load_idx %arg10[%and3A_176, %and3A_179] masked %eq3A_170 : memref<128x512xf32, #tpu.memory_space<vmem>>[vector<16xi32>, vector<16xi32>], vector<16xf32>, vector<16xi1>
    %get3A_181 = arith.index_cast %mul3A_162 : i32 to index
    %get3A_182 = tpu.vector_load %arg9[%get3A_181] {strides = array<i32>} : memref<2000xf32, #tpu.memory_space<vmem>>, vector<16xf32>,
    %sub3A_183 = arith.subf %gather3A_180, %get3A_182 : vector<16xf32>
    %abs3A_184 = math.absf %sub3A_183 : vector<16xf32>
    %jit3A_185 = arith.constant 0.000000e+00 : f32
    %broadcast_in_dim3A_186 = vector.broadcast %jit3A_185 : f32 to vector<16xf32>
    %select_n3A_187 = arith.select %eq3A_170, %abs3A_184, %broadcast_in_dim3A_186 : vector<16xi1>, vector<16xf32>
    %add3A_188 = arith.addf %add3A_158, %select_n3A_187 : vector<16xf32>
    %scan3A_189 = arith.constant 124 : i32
    %scan3A_190 = arith.addi %scan3A_67, %scan3A_189 : i32
    %mul3A_191 = arith.constant 16 : i32
    %mul3A_192 = arith.muli %scan3A_190, %mul3A_191 : i32
    %get3A_193 = arith.index_cast %mul3A_192 : i32 to index
    %get3A_194 = tpu.vector_load %arg7[%get3A_193] {strides = array<i32>} : memref<2000xi32, #tpu.memory_space<vmem>>, vector<16xi32>,
    %shift_right_arithmetic3A_195 = arith.constant 16 : i32
    %shift_right_arithmetic3A_196 = vector.broadcast %shift_right_arithmetic3A_195 : i32 to vector<16xi32>
    %shift_right_arithmetic3A_197 = arith.shrsi %get3A_194, %shift_right_arithmetic3A_196 : vector<16xi32>
    %eq3A_198 = arith.constant 2 : i32
    %eq3A_199 = vector.broadcast %eq3A_198 : i32 to vector<16xi32>
    %eq3A_200 = arith.cmpi eq, %shift_right_arithmetic3A_197, %eq3A_199 : vector<16xi32>
    %shift_right_arithmetic3A_201 = arith.constant 9 : i32
    %shift_right_arithmetic3A_202 = vector.broadcast %shift_right_arithmetic3A_201 : i32 to vector<16xi32>
    %shift_right_arithmetic3A_203 = arith.shrsi %get3A_194, %shift_right_arithmetic3A_202 : vector<16xi32>
    %and3A_204 = arith.constant 127 : i32
    %and3A_205 = vector.broadcast %and3A_204 : i32 to vector<16xi32>
    %and3A_206 = arith.andi %shift_right_arithmetic3A_203, %and3A_205 : vector<16xi32>
    %and3A_207 = arith.constant 511 : i32
    %and3A_208 = vector.broadcast %and3A_207 : i32 to vector<16xi32>
    %and3A_209 = arith.andi %get3A_194, %and3A_208 : vector<16xi32>
    %gather3A_210 = tpu.vector_load_idx %arg10[%and3A_206, %and3A_209] masked %eq3A_200 : memref<128x512xf32, #tpu.memory_space<vmem>>[vector<16xi32>, vector<16xi32>], vector<16xf32>, vector<16xi1>
    %get3A_211 = arith.index_cast %mul3A_192 : i32 to index
    %get3A_212 = tpu.vector_load %arg9[%get3A_211] {strides = array<i32>} : memref<2000xf32, #tpu.memory_space<vmem>>, vector<16xf32>,
    %sub3A_213 = arith.subf %gather3A_210, %get3A_212 : vector<16xf32>
    %abs3A_214 = math.absf %sub3A_213 : vector<16xf32>
    %jit3A_215 = arith.constant 0.000000e+00 : f32
    %broadcast_in_dim3A_216 = vector.broadcast %jit3A_215 : f32 to vector<16xf32>
    %select_n3A_217 = arith.select %eq3A_200, %abs3A_214, %broadcast_in_dim3A_216 : vector<16xi1>, vector<16xf32>
    %add3A_218 = arith.addf %add3A_188, %select_n3A_217 : vector<16xf32>
    %scan3A_219 = arith.constant 125 : i32
    %add3A_220 = arith.constant 128 : i32
    %add3A_221 = arith.addi %mul3A_18, %add3A_220 : i32
    "tpu.region"() ({
      %run_scoped3A = tpu.sem_alloc : memref<!tpu.dma_semaphore, #tpu.memory_space<semaphore_mem>>
      %dma_start3A_380 = arith.constant 0 : i32
      %dma_start3A_381 = tpu.memref_slice %arg2[%add3A_221, %dma_start3A_380] : memref<8192x512xf32, #tpu.memory_space<hbm>> -> memref<128x512xf32, #tpu.memory_space<hbm>>
      %dma_start3A_382 = arith.constant 0 : i32
      %dma_start3A_383 = tpu.memref_slice %arg2[%add3A_221, %dma_start3A_382] : memref<8192x512xf32, #tpu.memory_space<hbm>> -> memref<128x512xf32, #tpu.memory_space<hbm>>
      tpu.enqueue_dma source(%dma_start3A_383 : memref<128x512xf32, #tpu.memory_space<hbm>>) target(%arg10 : memref<128x512xf32, #tpu.memory_space<vmem>>) target_semaphore(%run_scoped3A : memref<!tpu.dma_semaphore, #tpu.memory_space<semaphore_mem>>)
      %dma_wait3A_384 = arith.constant 0 : i32
      %dma_wait3A_385 = tpu.memref_slice %arg2[%add3A_221, %dma_wait3A_384] : memref<8192x512xf32, #tpu.memory_space<hbm>> -> memref<128x512xf32, #tpu.memory_space<hbm>>
      %dma_wait3A_386 = arith.constant 0 : i32
      %dma_wait3A_387 = tpu.memref_slice %arg2[%add3A_221, %dma_wait3A_386] : memref<8192x512xf32, #tpu.memory_space<hbm>> -> memref<128x512xf32, #tpu.memory_space<hbm>>
      tpu.wait_dma2 semaphore(%run_scoped3A : memref<!tpu.dma_semaphore, #tpu.memory_space<semaphore_mem>>) src(%dma_wait3A_387 : memref<128x512xf32, #tpu.memory_space<hbm>>) dst(%arg10 : memref<128x512xf32, #tpu.memory_space<vmem>>)
      tpu.yield
    }) : () -> ()
    %scan3A_222 = arith.constant 0 : i32
    %scan3A_223 = arith.constant 120 : i32
    %scan3A_224 = arith.addi %scan3A_222, %scan3A_223 : i32
    %scan3A_225 = arith.constant 8 : i32
    %scan3A_226 = scf.for %scan3A_380 = %scan3A_222 to %scan3A_224 step %scan3A_225 iter_args(%scan3A_381 = %add3A_218) -> (vector<16xf32>)  : i32 {
      %mul3A_382 = arith.constant 16 : i32
      %mul3A_383 = arith.muli %scan3A_380, %mul3A_382 : i32
      %get3A_384 = arith.index_cast %mul3A_383 : i32 to index
      %get3A_385 = tpu.vector_load %arg7[%get3A_384] {strides = array<i32>} : memref<2000xi32, #tpu.memory_space<vmem>>, vector<16xi32>,
      %shift_right_arithmetic3A_386 = arith.constant 16 : i32
      %shift_right_arithmetic3A_387 = vector.broadcast %shift_right_arithmetic3A_386 : i32 to vector<16xi32>
      %shift_right_arithmetic3A_388 = arith.shrsi %get3A_385, %shift_right_arithmetic3A_387 : vector<16xi32>
      %eq3A_389 = arith.constant 3 : i32
      %eq3A_390 = vector.broadcast %eq3A_389 : i32 to vector<16xi32>
      %eq3A_391 = arith.cmpi eq, %shift_right_arithmetic3A_388, %eq3A_390 : vector<16xi32>
      %shift_right_arithmetic3A_392 = arith.constant 9 : i32
      %shift_right_arithmetic3A_393 = vector.broadcast %shift_right_arithmetic3A_392 : i32 to vector<16xi32>
      %shift_right_arithmetic3A_394 = arith.shrsi %get3A_385, %shift_right_arithmetic3A_393 : vector<16xi32>
      %and3A_395 = arith.constant 127 : i32
      %and3A_396 = vector.broadcast %and3A_395 : i32 to vector<16xi32>
      %and3A_397 = arith.andi %shift_right_arithmetic3A_394, %and3A_396 : vector<16xi32>
      %and3A_398 = arith.constant 511 : i32
      %and3A_399 = vector.broadcast %and3A_398 : i32 to vector<16xi32>
      %and3A_400 = arith.andi %get3A_385, %and3A_399 : vector<16xi32>
      %gather3A_401 = tpu.vector_load_idx %arg10[%and3A_397, %and3A_400] masked %eq3A_391 : memref<128x512xf32, #tpu.memory_space<vmem>>[vector<16xi32>, vector<16xi32>], vector<16xf32>, vector<16xi1>
      %get3A_402 = arith.index_cast %mul3A_383 : i32 to index
      %get3A_403 = tpu.vector_load %arg9[%get3A_402] {strides = array<i32>} : memref<2000xf32, #tpu.memory_space<vmem>>, vector<16xf32>,
      %sub3A_404 = arith.subf %gather3A_401, %get3A_403 : vector<16xf32>
      %abs3A_405 = math.absf %sub3A_404 : vector<16xf32>
      %jit3A_406 = arith.constant 0.000000e+00 : f32
      %broadcast_in_dim3A_407 = vector.broadcast %jit3A_406 : f32 to vector<16xf32>
      %select_n3A_408 = arith.select %eq3A_391, %abs3A_405, %broadcast_in_dim3A_407 : vector<16xi1>, vector<16xf32>
      %add3A_409 = arith.addf %scan3A_381, %select_n3A_408 : vector<16xf32>
      %scan3A_410 = arith.constant 1 : i32
      %scan3A_411 = arith.addi %scan3A_380, %scan3A_410 : i32
      %mul3A_412 = arith.constant 16 : i32
      %mul3A_413 = arith.muli %scan3A_411, %mul3A_412 : i32
      %get3A_414 = arith.index_cast %mul3A_413 : i32 to index
      %get3A_415 = tpu.vector_load %arg7[%get3A_414] {strides = array<i32>} : memref<2000xi32, #tpu.memory_space<vmem>>, vector<16xi32>,
      %shift_right_arithmetic3A_416 = arith.constant 16 : i32
      %shift_right_arithmetic3A_417 = vector.broadcast %shift_right_arithmetic3A_416 : i32 to vector<16xi32>
      %shift_right_arithmetic3A_418 = arith.shrsi %get3A_415, %shift_right_arithmetic3A_417 : vector<16xi32>
      %eq3A_419 = arith.constant 3 : i32
      %eq3A_420 = vector.broadcast %eq3A_419 : i32 to vector<16xi32>
      %eq3A_421 = arith.cmpi eq, %shift_right_arithmetic3A_418, %eq3A_420 : vector<16xi32>
      %shift_right_arithmetic3A_422 = arith.constant 9 : i32
      %shift_right_arithmetic3A_423 = vector.broadcast %shift_right_arithmetic3A_422 : i32 to vector<16xi32>
      %shift_right_arithmetic3A_424 = arith.shrsi %get3A_415, %shift_right_arithmetic3A_423 : vector<16xi32>
      %and3A_425 = arith.constant 127 : i32
      %and3A_426 = vector.broadcast %and3A_425 : i32 to vector<16xi32>
      %and3A_427 = arith.andi %shift_right_arithmetic3A_424, %and3A_426 : vector<16xi32>
      %and3A_428 = arith.constant 511 : i32
      %and3A_429 = vector.broadcast %and3A_428 : i32 to vector<16xi32>
      %and3A_430 = arith.andi %get3A_415, %and3A_429 : vector<16xi32>
      %gather3A_431 = tpu.vector_load_idx %arg10[%and3A_427, %and3A_430] masked %eq3A_421 : memref<128x512xf32, #tpu.memory_space<vmem>>[vector<16xi32>, vector<16xi32>], vector<16xf32>, vector<16xi1>
      %get3A_432 = arith.index_cast %mul3A_413 : i32 to index
      %get3A_433 = tpu.vector_load %arg9[%get3A_432] {strides = array<i32>} : memref<2000xf32, #tpu.memory_space<vmem>>, vector<16xf32>,
      %sub3A_434 = arith.subf %gather3A_431, %get3A_433 : vector<16xf32>
      %abs3A_435 = math.absf %sub3A_434 : vector<16xf32>
      %jit3A_436 = arith.constant 0.000000e+00 : f32
      %broadcast_in_dim3A_437 = vector.broadcast %jit3A_436 : f32 to vector<16xf32>
      %select_n3A_438 = arith.select %eq3A_421, %abs3A_435, %broadcast_in_dim3A_437 : vector<16xi1>, vector<16xf32>
      %add3A_439 = arith.addf %add3A_409, %select_n3A_438 : vector<16xf32>
      %scan3A_440 = arith.constant 2 : i32
      %scan3A_441 = arith.addi %scan3A_380, %scan3A_440 : i32
      %mul3A_442 = arith.constant 16 : i32
      %mul3A_443 = arith.muli %scan3A_441, %mul3A_442 : i32
      %get3A_444 = arith.index_cast %mul3A_443 : i32 to index
      %get3A_445 = tpu.vector_load %arg7[%get3A_444] {strides = array<i32>} : memref<2000xi32, #tpu.memory_space<vmem>>, vector<16xi32>,
      %shift_right_arithmetic3A_446 = arith.constant 16 : i32
      %shift_right_arithmetic3A_447 = vector.broadcast %shift_right_arithmetic3A_446 : i32 to vector<16xi32>
      %shift_right_arithmetic3A_448 = arith.shrsi %get3A_445, %shift_right_arithmetic3A_447 : vector<16xi32>
      %eq3A_449 = arith.constant 3 : i32
      %eq3A_450 = vector.broadcast %eq3A_449 : i32 to vector<16xi32>
      %eq3A_451 = arith.cmpi eq, %shift_right_arithmetic3A_448, %eq3A_450 : vector<16xi32>
      %shift_right_arithmetic3A_452 = arith.constant 9 : i32
      %shift_right_arithmetic3A_453 = vector.broadcast %shift_right_arithmetic3A_452 : i32 to vector<16xi32>
      %shift_right_arithmetic3A_454 = arith.shrsi %get3A_445, %shift_right_arithmetic3A_453 : vector<16xi32>
      %and3A_455 = arith.constant 127 : i32
      %and3A_456 = vector.broadcast %and3A_455 : i32 to vector<16xi32>
      %and3A_457 = arith.andi %shift_right_arithmetic3A_454, %and3A_456 : vector<16xi32>
      %and3A_458 = arith.constant 511 : i32
      %and3A_459 = vector.broadcast %and3A_458 : i32 to vector<16xi32>
      %and3A_460 = arith.andi %get3A_445, %and3A_459 : vector<16xi32>
      %gather3A_461 = tpu.vector_load_idx %arg10[%and3A_457, %and3A_460] masked %eq3A_451 : memref<128x512xf32, #tpu.memory_space<vmem>>[vector<16xi32>, vector<16xi32>], vector<16xf32>, vector<16xi1>
      %get3A_462 = arith.index_cast %mul3A_443 : i32 to index
      %get3A_463 = tpu.vector_load %arg9[%get3A_462] {strides = array<i32>} : memref<2000xf32, #tpu.memory_space<vmem>>, vector<16xf32>,
      %sub3A_464 = arith.subf %gather3A_461, %get3A_463 : vector<16xf32>
      %abs3A_465 = math.absf %sub3A_464 : vector<16xf32>
      %jit3A_466 = arith.constant 0.000000e+00 : f32
      %broadcast_in_dim3A_467 = vector.broadcast %jit3A_466 : f32 to vector<16xf32>
      %select_n3A_468 = arith.select %eq3A_451, %abs3A_465, %broadcast_in_dim3A_467 : vector<16xi1>, vector<16xf32>
      %add3A_469 = arith.addf %add3A_439, %select_n3A_468 : vector<16xf32>
      %scan3A_470 = arith.constant 3 : i32
      %scan3A_471 = arith.addi %scan3A_380, %scan3A_470 : i32
      %mul3A_472 = arith.constant 16 : i32
      %mul3A_473 = arith.muli %scan3A_471, %mul3A_472 : i32
      %get3A_474 = arith.index_cast %mul3A_473 : i32 to index
      %get3A_475 = tpu.vector_load %arg7[%get3A_474] {strides = array<i32>} : memref<2000xi32, #tpu.memory_space<vmem>>, vector<16xi32>,
      %shift_right_arithmetic3A_476 = arith.constant 16 : i32
      %shift_right_arithmetic3A_477 = vector.broadcast %shift_right_arithmetic3A_476 : i32 to vector<16xi32>
      %shift_right_arithmetic3A_478 = arith.shrsi %get3A_475, %shift_right_arithmetic3A_477 : vector<16xi32>
      %eq3A_479 = arith.constant 3 : i32
      %eq3A_480 = vector.broadcast %eq3A_479 : i32 to vector<16xi32>
      %eq3A_481 = arith.cmpi eq, %shift_right_arithmetic3A_478, %eq3A_480 : vector<16xi32>
      %shift_right_arithmetic3A_482 = arith.constant 9 : i32
      %shift_right_arithmetic3A_483 = vector.broadcast %shift_right_arithmetic3A_482 : i32 to vector<16xi32>
      %shift_right_arithmetic3A_484 = arith.shrsi %get3A_475, %shift_right_arithmetic3A_483 : vector<16xi32>
      %and3A_485 = arith.constant 127 : i32
      %and3A_486 = vector.broadcast %and3A_485 : i32 to vector<16xi32>
      %and3A_487 = arith.andi %shift_right_arithmetic3A_484, %and3A_486 : vector<16xi32>
      %and3A_488 = arith.constant 511 : i32
      %and3A_489 = vector.broadcast %and3A_488 : i32 to vector<16xi32>
      %and3A_490 = arith.andi %get3A_475, %and3A_489 : vector<16xi32>
      %gather3A_491 = tpu.vector_load_idx %arg10[%and3A_487, %and3A_490] masked %eq3A_481 : memref<128x512xf32, #tpu.memory_space<vmem>>[vector<16xi32>, vector<16xi32>], vector<16xf32>, vector<16xi1>
      %get3A_492 = arith.index_cast %mul3A_473 : i32 to index
      %get3A_493 = tpu.vector_load %arg9[%get3A_492] {strides = array<i32>} : memref<2000xf32, #tpu.memory_space<vmem>>, vector<16xf32>,
      %sub3A_494 = arith.subf %gather3A_491, %get3A_493 : vector<16xf32>
      %abs3A_495 = math.absf %sub3A_494 : vector<16xf32>
      %jit3A_496 = arith.constant 0.000000e+00 : f32
      %broadcast_in_dim3A_497 = vector.broadcast %jit3A_496 : f32 to vector<16xf32>
      %select_n3A_498 = arith.select %eq3A_481, %abs3A_495, %broadcast_in_dim3A_497 : vector<16xi1>, vector<16xf32>
      %add3A_499 = arith.addf %add3A_469, %select_n3A_498 : vector<16xf32>
      %scan3A_500 = arith.constant 4 : i32
      %scan3A_501 = arith.addi %scan3A_380, %scan3A_500 : i32
      %mul3A_502 = arith.constant 16 : i32
      %mul3A_503 = arith.muli %scan3A_501, %mul3A_502 : i32
      %get3A_504 = arith.index_cast %mul3A_503 : i32 to index
      %get3A_505 = tpu.vector_load %arg7[%get3A_504] {strides = array<i32>} : memref<2000xi32, #tpu.memory_space<vmem>>, vector<16xi32>,
      %shift_right_arithmetic3A_506 = arith.constant 16 : i32
      %shift_right_arithmetic3A_507 = vector.broadcast %shift_right_arithmetic3A_506 : i32 to vector<16xi32>
      %shift_right_arithmetic3A_508 = arith.shrsi %get3A_505, %shift_right_arithmetic3A_507 : vector<16xi32>
      %eq3A_509 = arith.constant 3 : i32
      %eq3A_510 = vector.broadcast %eq3A_509 : i32 to vector<16xi32>
      %eq3A_511 = arith.cmpi eq, %shift_right_arithmetic3A_508, %eq3A_510 : vector<16xi32>
      %shift_right_arithmetic3A_512 = arith.constant 9 : i32
      %shift_right_arithmetic3A_513 = vector.broadcast %shift_right_arithmetic3A_512 : i32 to vector<16xi32>
      %shift_right_arithmetic3A_514 = arith.shrsi %get3A_505, %shift_right_arithmetic3A_513 : vector<16xi32>
      %and3A_515 = arith.constant 127 : i32
      %and3A_516 = vector.broadcast %and3A_515 : i32 to vector<16xi32>
      %and3A_517 = arith.andi %shift_right_arithmetic3A_514, %and3A_516 : vector<16xi32>
      %and3A_518 = arith.constant 511 : i32
      %and3A_519 = vector.broadcast %and3A_518 : i32 to vector<16xi32>
      %and3A_520 = arith.andi %get3A_505, %and3A_519 : vector<16xi32>
      %gather3A_521 = tpu.vector_load_idx %arg10[%and3A_517, %and3A_520] masked %eq3A_511 : memref<128x512xf32, #tpu.memory_space<vmem>>[vector<16xi32>, vector<16xi32>], vector<16xf32>, vector<16xi1>
      %get3A_522 = arith.index_cast %mul3A_503 : i32 to index
      %get3A_523 = tpu.vector_load %arg9[%get3A_522] {strides = array<i32>} : memref<2000xf32, #tpu.memory_space<vmem>>, vector<16xf32>,
      %sub3A_524 = arith.subf %gather3A_521, %get3A_523 : vector<16xf32>
      %abs3A_525 = math.absf %sub3A_524 : vector<16xf32>
      %jit3A_526 = arith.constant 0.000000e+00 : f32
      %broadcast_in_dim3A_527 = vector.broadcast %jit3A_526 : f32 to vector<16xf32>
      %select_n3A_528 = arith.select %eq3A_511, %abs3A_525, %broadcast_in_dim3A_527 : vector<16xi1>, vector<16xf32>
      %add3A_529 = arith.addf %add3A_499, %select_n3A_528 : vector<16xf32>
      %scan3A_530 = arith.constant 5 : i32
      %scan3A_531 = arith.addi %scan3A_380, %scan3A_530 : i32
      %mul3A_532 = arith.constant 16 : i32
      %mul3A_533 = arith.muli %scan3A_531, %mul3A_532 : i32
      %get3A_534 = arith.index_cast %mul3A_533 : i32 to index
      %get3A_535 = tpu.vector_load %arg7[%get3A_534] {strides = array<i32>} : memref<2000xi32, #tpu.memory_space<vmem>>, vector<16xi32>,
      %shift_right_arithmetic3A_536 = arith.constant 16 : i32
      %shift_right_arithmetic3A_537 = vector.broadcast %shift_right_arithmetic3A_536 : i32 to vector<16xi32>
      %shift_right_arithmetic3A_538 = arith.shrsi %get3A_535, %shift_right_arithmetic3A_537 : vector<16xi32>
      %eq3A_539 = arith.constant 3 : i32
      %eq3A_540 = vector.broadcast %eq3A_539 : i32 to vector<16xi32>
      %eq3A_541 = arith.cmpi eq, %shift_right_arithmetic3A_538, %eq3A_540 : vector<16xi32>
      %shift_right_arithmetic3A_542 = arith.constant 9 : i32
      %shift_right_arithmetic3A_543 = vector.broadcast %shift_right_arithmetic3A_542 : i32 to vector<16xi32>
      %shift_right_arithmetic3A_544 = arith.shrsi %get3A_535, %shift_right_arithmetic3A_543 : vector<16xi32>
      %and3A_545 = arith.constant 127 : i32
      %and3A_546 = vector.broadcast %and3A_545 : i32 to vector<16xi32>
      %and3A_547 = arith.andi %shift_right_arithmetic3A_544, %and3A_546 : vector<16xi32>
      %and3A_548 = arith.constant 511 : i32
      %and3A_549 = vector.broadcast %and3A_548 : i32 to vector<16xi32>
      %and3A_550 = arith.andi %get3A_535, %and3A_549 : vector<16xi32>
      %gather3A_551 = tpu.vector_load_idx %arg10[%and3A_547, %and3A_550] masked %eq3A_541 : memref<128x512xf32, #tpu.memory_space<vmem>>[vector<16xi32>, vector<16xi32>], vector<16xf32>, vector<16xi1>
      %get3A_552 = arith.index_cast %mul3A_533 : i32 to index
      %get3A_553 = tpu.vector_load %arg9[%get3A_552] {strides = array<i32>} : memref<2000xf32, #tpu.memory_space<vmem>>, vector<16xf32>,
      %sub3A_554 = arith.subf %gather3A_551, %get3A_553 : vector<16xf32>
      %abs3A_555 = math.absf %sub3A_554 : vector<16xf32>
      %jit3A_556 = arith.constant 0.000000e+00 : f32
      %broadcast_in_dim3A_557 = vector.broadcast %jit3A_556 : f32 to vector<16xf32>
      %select_n3A_558 = arith.select %eq3A_541, %abs3A_555, %broadcast_in_dim3A_557 : vector<16xi1>, vector<16xf32>
      %add3A_559 = arith.addf %add3A_529, %select_n3A_558 : vector<16xf32>
      %scan3A_560 = arith.constant 6 : i32
      %scan3A_561 = arith.addi %scan3A_380, %scan3A_560 : i32
      %mul3A_562 = arith.constant 16 : i32
      %mul3A_563 = arith.muli %scan3A_561, %mul3A_562 : i32
      %get3A_564 = arith.index_cast %mul3A_563 : i32 to index
      %get3A_565 = tpu.vector_load %arg7[%get3A_564] {strides = array<i32>} : memref<2000xi32, #tpu.memory_space<vmem>>, vector<16xi32>,
      %shift_right_arithmetic3A_566 = arith.constant 16 : i32
      %shift_right_arithmetic3A_567 = vector.broadcast %shift_right_arithmetic3A_566 : i32 to vector<16xi32>
      %shift_right_arithmetic3A_568 = arith.shrsi %get3A_565, %shift_right_arithmetic3A_567 : vector<16xi32>
      %eq3A_569 = arith.constant 3 : i32
      %eq3A_570 = vector.broadcast %eq3A_569 : i32 to vector<16xi32>
      %eq3A_571 = arith.cmpi eq, %shift_right_arithmetic3A_568, %eq3A_570 : vector<16xi32>
      %shift_right_arithmetic3A_572 = arith.constant 9 : i32
      %shift_right_arithmetic3A_573 = vector.broadcast %shift_right_arithmetic3A_572 : i32 to vector<16xi32>
      %shift_right_arithmetic3A_574 = arith.shrsi %get3A_565, %shift_right_arithmetic3A_573 : vector<16xi32>
      %and3A_575 = arith.constant 127 : i32
      %and3A_576 = vector.broadcast %and3A_575 : i32 to vector<16xi32>
      %and3A_577 = arith.andi %shift_right_arithmetic3A_574, %and3A_576 : vector<16xi32>
      %and3A_578 = arith.constant 511 : i32
      %and3A_579 = vector.broadcast %and3A_578 : i32 to vector<16xi32>
      %and3A_580 = arith.andi %get3A_565, %and3A_579 : vector<16xi32>
      %gather3A_581 = tpu.vector_load_idx %arg10[%and3A_577, %and3A_580] masked %eq3A_571 : memref<128x512xf32, #tpu.memory_space<vmem>>[vector<16xi32>, vector<16xi32>], vector<16xf32>, vector<16xi1>
      %get3A_582 = arith.index_cast %mul3A_563 : i32 to index
      %get3A_583 = tpu.vector_load %arg9[%get3A_582] {strides = array<i32>} : memref<2000xf32, #tpu.memory_space<vmem>>, vector<16xf32>,
      %sub3A_584 = arith.subf %gather3A_581, %get3A_583 : vector<16xf32>
      %abs3A_585 = math.absf %sub3A_584 : vector<16xf32>
      %jit3A_586 = arith.constant 0.000000e+00 : f32
      %broadcast_in_dim3A_587 = vector.broadcast %jit3A_586 : f32 to vector<16xf32>
      %select_n3A_588 = arith.select %eq3A_571, %abs3A_585, %broadcast_in_dim3A_587 : vector<16xi1>, vector<16xf32>
      %add3A_589 = arith.addf %add3A_559, %select_n3A_588 : vector<16xf32>
      %scan3A_590 = arith.constant 7 : i32
      %scan3A_591 = arith.addi %scan3A_380, %scan3A_590 : i32
      %mul3A_592 = arith.constant 16 : i32
      %mul3A_593 = arith.muli %scan3A_591, %mul3A_592 : i32
      %get3A_594 = arith.index_cast %mul3A_593 : i32 to index
      %get3A_595 = tpu.vector_load %arg7[%get3A_594] {strides = array<i32>} : memref<2000xi32, #tpu.memory_space<vmem>>, vector<16xi32>,
      %shift_right_arithmetic3A_596 = arith.constant 16 : i32
      %shift_right_arithmetic3A_597 = vector.broadcast %shift_right_arithmetic3A_596 : i32 to vector<16xi32>
      %shift_right_arithmetic3A_598 = arith.shrsi %get3A_595, %shift_right_arithmetic3A_597 : vector<16xi32>
      %eq3A_599 = arith.constant 3 : i32
      %eq3A_600 = vector.broadcast %eq3A_599 : i32 to vector<16xi32>
      %eq3A_601 = arith.cmpi eq, %shift_right_arithmetic3A_598, %eq3A_600 : vector<16xi32>
      %shift_right_arithmetic3A_602 = arith.constant 9 : i32
      %shift_right_arithmetic3A_603 = vector.broadcast %shift_right_arithmetic3A_602 : i32 to vector<16xi32>
      %shift_right_arithmetic3A_604 = arith.shrsi %get3A_595, %shift_right_arithmetic3A_603 : vector<16xi32>
      %and3A_605 = arith.constant 127 : i32
      %and3A_606 = vector.broadcast %and3A_605 : i32 to vector<16xi32>
      %and3A_607 = arith.andi %shift_right_arithmetic3A_604, %and3A_606 : vector<16xi32>
      %and3A_608 = arith.constant 511 : i32
      %and3A_609 = vector.broadcast %and3A_608 : i32 to vector<16xi32>
      %and3A_610 = arith.andi %get3A_595, %and3A_609 : vector<16xi32>
      %gather3A_611 = tpu.vector_load_idx %arg10[%and3A_607, %and3A_610] masked %eq3A_601 : memref<128x512xf32, #tpu.memory_space<vmem>>[vector<16xi32>, vector<16xi32>], vector<16xf32>, vector<16xi1>
      %get3A_612 = arith.index_cast %mul3A_593 : i32 to index
      %get3A_613 = tpu.vector_load %arg9[%get3A_612] {strides = array<i32>} : memref<2000xf32, #tpu.memory_space<vmem>>, vector<16xf32>,
      %sub3A_614 = arith.subf %gather3A_611, %get3A_613 : vector<16xf32>
      %abs3A_615 = math.absf %sub3A_614 : vector<16xf32>
      %jit3A_616 = arith.constant 0.000000e+00 : f32
      %broadcast_in_dim3A_617 = vector.broadcast %jit3A_616 : f32 to vector<16xf32>
      %select_n3A_618 = arith.select %eq3A_601, %abs3A_615, %broadcast_in_dim3A_617 : vector<16xi1>, vector<16xf32>
      %add3A_619 = arith.addf %add3A_589, %select_n3A_618 : vector<16xf32>
      scf.yield %add3A_619 : vector<16xf32>
    }
    %scan3A_227 = arith.constant 120 : i32
    %scan3A_228 = arith.addi %scan3A_222, %scan3A_227 : i32
    %mul3A_229 = arith.constant 16 : i32
    %mul3A_230 = arith.muli %scan3A_228, %mul3A_229 : i32
    %get3A_231 = arith.index_cast %mul3A_230 : i32 to index
    %get3A_232 = tpu.vector_load %arg7[%get3A_231] {strides = array<i32>} : memref<2000xi32, #tpu.memory_space<vmem>>, vector<16xi32>,
    %shift_right_arithmetic3A_233 = arith.constant 16 : i32
    %shift_right_arithmetic3A_234 = vector.broadcast %shift_right_arithmetic3A_233 : i32 to vector<16xi32>
    %shift_right_arithmetic3A_235 = arith.shrsi %get3A_232, %shift_right_arithmetic3A_234 : vector<16xi32>
    %eq3A_236 = arith.constant 3 : i32
    %eq3A_237 = vector.broadcast %eq3A_236 : i32 to vector<16xi32>
    %eq3A_238 = arith.cmpi eq, %shift_right_arithmetic3A_235, %eq3A_237 : vector<16xi32>
    %shift_right_arithmetic3A_239 = arith.constant 9 : i32
    %shift_right_arithmetic3A_240 = vector.broadcast %shift_right_arithmetic3A_239 : i32 to vector<16xi32>
    %shift_right_arithmetic3A_241 = arith.shrsi %get3A_232, %shift_right_arithmetic3A_240 : vector<16xi32>
    %and3A_242 = arith.constant 127 : i32
    %and3A_243 = vector.broadcast %and3A_242 : i32 to vector<16xi32>
    %and3A_244 = arith.andi %shift_right_arithmetic3A_241, %and3A_243 : vector<16xi32>
    %and3A_245 = arith.constant 511 : i32
    %and3A_246 = vector.broadcast %and3A_245 : i32 to vector<16xi32>
    %and3A_247 = arith.andi %get3A_232, %and3A_246 : vector<16xi32>
    %gather3A_248 = tpu.vector_load_idx %arg10[%and3A_244, %and3A_247] masked %eq3A_238 : memref<128x512xf32, #tpu.memory_space<vmem>>[vector<16xi32>, vector<16xi32>], vector<16xf32>, vector<16xi1>
    %get3A_249 = arith.index_cast %mul3A_230 : i32 to index
    %get3A_250 = tpu.vector_load %arg9[%get3A_249] {strides = array<i32>} : memref<2000xf32, #tpu.memory_space<vmem>>, vector<16xf32>,
    %sub3A_251 = arith.subf %gather3A_248, %get3A_250 : vector<16xf32>
    %abs3A_252 = math.absf %sub3A_251 : vector<16xf32>
    %jit3A_253 = arith.constant 0.000000e+00 : f32
    %broadcast_in_dim3A_254 = vector.broadcast %jit3A_253 : f32 to vector<16xf32>
    %select_n3A_255 = arith.select %eq3A_238, %abs3A_252, %broadcast_in_dim3A_254 : vector<16xi1>, vector<16xf32>
    %add3A_256 = arith.addf %scan3A_226, %select_n3A_255 : vector<16xf32>
    %scan3A_257 = arith.constant 121 : i32
    %scan3A_258 = arith.addi %scan3A_222, %scan3A_257 : i32
    %mul3A_259 = arith.constant 16 : i32
    %mul3A_260 = arith.muli %scan3A_258, %mul3A_259 : i32
    %get3A_261 = arith.index_cast %mul3A_260 : i32 to index
    %get3A_262 = tpu.vector_load %arg7[%get3A_261] {strides = array<i32>} : memref<2000xi32, #tpu.memory_space<vmem>>, vector<16xi32>,
    %shift_right_arithmetic3A_263 = arith.constant 16 : i32
    %shift_right_arithmetic3A_264 = vector.broadcast %shift_right_arithmetic3A_263 : i32 to vector<16xi32>
    %shift_right_arithmetic3A_265 = arith.shrsi %get3A_262, %shift_right_arithmetic3A_264 : vector<16xi32>
    %eq3A_266 = arith.constant 3 : i32
    %eq3A_267 = vector.broadcast %eq3A_266 : i32 to vector<16xi32>
    %eq3A_268 = arith.cmpi eq, %shift_right_arithmetic3A_265, %eq3A_267 : vector<16xi32>
    %shift_right_arithmetic3A_269 = arith.constant 9 : i32
    %shift_right_arithmetic3A_270 = vector.broadcast %shift_right_arithmetic3A_269 : i32 to vector<16xi32>
    %shift_right_arithmetic3A_271 = arith.shrsi %get3A_262, %shift_right_arithmetic3A_270 : vector<16xi32>
    %and3A_272 = arith.constant 127 : i32
    %and3A_273 = vector.broadcast %and3A_272 : i32 to vector<16xi32>
    %and3A_274 = arith.andi %shift_right_arithmetic3A_271, %and3A_273 : vector<16xi32>
    %and3A_275 = arith.constant 511 : i32
    %and3A_276 = vector.broadcast %and3A_275 : i32 to vector<16xi32>
    %and3A_277 = arith.andi %get3A_262, %and3A_276 : vector<16xi32>
    %gather3A_278 = tpu.vector_load_idx %arg10[%and3A_274, %and3A_277] masked %eq3A_268 : memref<128x512xf32, #tpu.memory_space<vmem>>[vector<16xi32>, vector<16xi32>], vector<16xf32>, vector<16xi1>
    %get3A_279 = arith.index_cast %mul3A_260 : i32 to index
    %get3A_280 = tpu.vector_load %arg9[%get3A_279] {strides = array<i32>} : memref<2000xf32, #tpu.memory_space<vmem>>, vector<16xf32>,
    %sub3A_281 = arith.subf %gather3A_278, %get3A_280 : vector<16xf32>
    %abs3A_282 = math.absf %sub3A_281 : vector<16xf32>
    %jit3A_283 = arith.constant 0.000000e+00 : f32
    %broadcast_in_dim3A_284 = vector.broadcast %jit3A_283 : f32 to vector<16xf32>
    %select_n3A_285 = arith.select %eq3A_268, %abs3A_282, %broadcast_in_dim3A_284 : vector<16xi1>, vector<16xf32>
    %add3A_286 = arith.addf %add3A_256, %select_n3A_285 : vector<16xf32>
    %scan3A_287 = arith.constant 122 : i32
    %scan3A_288 = arith.addi %scan3A_222, %scan3A_287 : i32
    %mul3A_289 = arith.constant 16 : i32
    %mul3A_290 = arith.muli %scan3A_288, %mul3A_289 : i32
    %get3A_291 = arith.index_cast %mul3A_290 : i32 to index
    %get3A_292 = tpu.vector_load %arg7[%get3A_291] {strides = array<i32>} : memref<2000xi32, #tpu.memory_space<vmem>>, vector<16xi32>,
    %shift_right_arithmetic3A_293 = arith.constant 16 : i32
    %shift_right_arithmetic3A_294 = vector.broadcast %shift_right_arithmetic3A_293 : i32 to vector<16xi32>
    %shift_right_arithmetic3A_295 = arith.shrsi %get3A_292, %shift_right_arithmetic3A_294 : vector<16xi32>
    %eq3A_296 = arith.constant 3 : i32
    %eq3A_297 = vector.broadcast %eq3A_296 : i32 to vector<16xi32>
    %eq3A_298 = arith.cmpi eq, %shift_right_arithmetic3A_295, %eq3A_297 : vector<16xi32>
    %shift_right_arithmetic3A_299 = arith.constant 9 : i32
    %shift_right_arithmetic3A_300 = vector.broadcast %shift_right_arithmetic3A_299 : i32 to vector<16xi32>
    %shift_right_arithmetic3A_301 = arith.shrsi %get3A_292, %shift_right_arithmetic3A_300 : vector<16xi32>
    %and3A_302 = arith.constant 127 : i32
    %and3A_303 = vector.broadcast %and3A_302 : i32 to vector<16xi32>
    %and3A_304 = arith.andi %shift_right_arithmetic3A_301, %and3A_303 : vector<16xi32>
    %and3A_305 = arith.constant 511 : i32
    %and3A_306 = vector.broadcast %and3A_305 : i32 to vector<16xi32>
    %and3A_307 = arith.andi %get3A_292, %and3A_306 : vector<16xi32>
    %gather3A_308 = tpu.vector_load_idx %arg10[%and3A_304, %and3A_307] masked %eq3A_298 : memref<128x512xf32, #tpu.memory_space<vmem>>[vector<16xi32>, vector<16xi32>], vector<16xf32>, vector<16xi1>
    %get3A_309 = arith.index_cast %mul3A_290 : i32 to index
    %get3A_310 = tpu.vector_load %arg9[%get3A_309] {strides = array<i32>} : memref<2000xf32, #tpu.memory_space<vmem>>, vector<16xf32>,
    %sub3A_311 = arith.subf %gather3A_308, %get3A_310 : vector<16xf32>
    %abs3A_312 = math.absf %sub3A_311 : vector<16xf32>
    %jit3A_313 = arith.constant 0.000000e+00 : f32
    %broadcast_in_dim3A_314 = vector.broadcast %jit3A_313 : f32 to vector<16xf32>
    %select_n3A_315 = arith.select %eq3A_298, %abs3A_312, %broadcast_in_dim3A_314 : vector<16xi1>, vector<16xf32>
    %add3A_316 = arith.addf %add3A_286, %select_n3A_315 : vector<16xf32>
    %scan3A_317 = arith.constant 123 : i32
    %scan3A_318 = arith.addi %scan3A_222, %scan3A_317 : i32
    %mul3A_319 = arith.constant 16 : i32
    %mul3A_320 = arith.muli %scan3A_318, %mul3A_319 : i32
    %get3A_321 = arith.index_cast %mul3A_320 : i32 to index
    %get3A_322 = tpu.vector_load %arg7[%get3A_321] {strides = array<i32>} : memref<2000xi32, #tpu.memory_space<vmem>>, vector<16xi32>,
    %shift_right_arithmetic3A_323 = arith.constant 16 : i32
    %shift_right_arithmetic3A_324 = vector.broadcast %shift_right_arithmetic3A_323 : i32 to vector<16xi32>
    %shift_right_arithmetic3A_325 = arith.shrsi %get3A_322, %shift_right_arithmetic3A_324 : vector<16xi32>
    %eq3A_326 = arith.constant 3 : i32
    %eq3A_327 = vector.broadcast %eq3A_326 : i32 to vector<16xi32>
    %eq3A_328 = arith.cmpi eq, %shift_right_arithmetic3A_325, %eq3A_327 : vector<16xi32>
    %shift_right_arithmetic3A_329 = arith.constant 9 : i32
    %shift_right_arithmetic3A_330 = vector.broadcast %shift_right_arithmetic3A_329 : i32 to vector<16xi32>
    %shift_right_arithmetic3A_331 = arith.shrsi %get3A_322, %shift_right_arithmetic3A_330 : vector<16xi32>
    %and3A_332 = arith.constant 127 : i32
    %and3A_333 = vector.broadcast %and3A_332 : i32 to vector<16xi32>
    %and3A_334 = arith.andi %shift_right_arithmetic3A_331, %and3A_333 : vector<16xi32>
    %and3A_335 = arith.constant 511 : i32
    %and3A_336 = vector.broadcast %and3A_335 : i32 to vector<16xi32>
    %and3A_337 = arith.andi %get3A_322, %and3A_336 : vector<16xi32>
    %gather3A_338 = tpu.vector_load_idx %arg10[%and3A_334, %and3A_337] masked %eq3A_328 : memref<128x512xf32, #tpu.memory_space<vmem>>[vector<16xi32>, vector<16xi32>], vector<16xf32>, vector<16xi1>
    %get3A_339 = arith.index_cast %mul3A_320 : i32 to index
    %get3A_340 = tpu.vector_load %arg9[%get3A_339] {strides = array<i32>} : memref<2000xf32, #tpu.memory_space<vmem>>, vector<16xf32>,
    %sub3A_341 = arith.subf %gather3A_338, %get3A_340 : vector<16xf32>
    %abs3A_342 = math.absf %sub3A_341 : vector<16xf32>
    %jit3A_343 = arith.constant 0.000000e+00 : f32
    %broadcast_in_dim3A_344 = vector.broadcast %jit3A_343 : f32 to vector<16xf32>
    %select_n3A_345 = arith.select %eq3A_328, %abs3A_342, %broadcast_in_dim3A_344 : vector<16xi1>, vector<16xf32>
    %add3A_346 = arith.addf %add3A_316, %select_n3A_345 : vector<16xf32>
    %scan3A_347 = arith.constant 124 : i32
    %scan3A_348 = arith.addi %scan3A_222, %scan3A_347 : i32
    %mul3A_349 = arith.constant 16 : i32
    %mul3A_350 = arith.muli %scan3A_348, %mul3A_349 : i32
    %get3A_351 = arith.index_cast %mul3A_350 : i32 to index
    %get3A_352 = tpu.vector_load %arg7[%get3A_351] {strides = array<i32>} : memref<2000xi32, #tpu.memory_space<vmem>>, vector<16xi32>,
    %shift_right_arithmetic3A_353 = arith.constant 16 : i32
    %shift_right_arithmetic3A_354 = vector.broadcast %shift_right_arithmetic3A_353 : i32 to vector<16xi32>
    %shift_right_arithmetic3A_355 = arith.shrsi %get3A_352, %shift_right_arithmetic3A_354 : vector<16xi32>
    %eq3A_356 = arith.constant 3 : i32
    %eq3A_357 = vector.broadcast %eq3A_356 : i32 to vector<16xi32>
    %eq3A_358 = arith.cmpi eq, %shift_right_arithmetic3A_355, %eq3A_357 : vector<16xi32>
    %shift_right_arithmetic3A_359 = arith.constant 9 : i32
    %shift_right_arithmetic3A_360 = vector.broadcast %shift_right_arithmetic3A_359 : i32 to vector<16xi32>
    %shift_right_arithmetic3A_361 = arith.shrsi %get3A_352, %shift_right_arithmetic3A_360 : vector<16xi32>
    %and3A_362 = arith.constant 127 : i32
    %and3A_363 = vector.broadcast %and3A_362 : i32 to vector<16xi32>
    %and3A_364 = arith.andi %shift_right_arithmetic3A_361, %and3A_363 : vector<16xi32>
    %and3A_365 = arith.constant 511 : i32
    %and3A_366 = vector.broadcast %and3A_365 : i32 to vector<16xi32>
    %and3A_367 = arith.andi %get3A_352, %and3A_366 : vector<16xi32>
    %gather3A_368 = tpu.vector_load_idx %arg10[%and3A_364, %and3A_367] masked %eq3A_358 : memref<128x512xf32, #tpu.memory_space<vmem>>[vector<16xi32>, vector<16xi32>], vector<16xf32>, vector<16xi1>
    %get3A_369 = arith.index_cast %mul3A_350 : i32 to index
    %get3A_370 = tpu.vector_load %arg9[%get3A_369] {strides = array<i32>} : memref<2000xf32, #tpu.memory_space<vmem>>, vector<16xf32>,
    %sub3A_371 = arith.subf %gather3A_368, %get3A_370 : vector<16xf32>
    %abs3A_372 = math.absf %sub3A_371 : vector<16xf32>
    %jit3A_373 = arith.constant 0.000000e+00 : f32
    %broadcast_in_dim3A_374 = vector.broadcast %jit3A_373 : f32 to vector<16xf32>
    %select_n3A_375 = arith.select %eq3A_358, %abs3A_372, %broadcast_in_dim3A_374 : vector<16xi1>, vector<16xf32>
    %add3A_376 = arith.addf %add3A_346, %select_n3A_375 : vector<16xf32>
    %scan3A_377 = arith.constant 125 : i32
    %swap3A_378 = arith.constant 0 : index
    %swap3A_379 = tpu.vector_load %arg11[%swap3A_378] {strides = array<i32>} : memref<16xf32, #tpu.memory_space<vmem>>, vector<16xf32>,
    tpu.vector_store %arg11[%swap3A_378], %add3A_376 {strides = array<i32>} : memref<16xf32, #tpu.memory_space<vmem>>, vector<16xf32>,
    "tpu.region"() ({
      %run_scoped3A = tpu.sem_alloc : memref<!tpu.dma_semaphore, #tpu.memory_space<semaphore_mem>>
      %dma_start3A_380 = arith.constant 0 : i32
      %dma_start3A_381 = tpu.memref_slice %arg6[%add3A, %dma_start3A_380] : memref<32x16xf32, #tpu.memory_space<hbm>> -> memref<1x16xf32, #tpu.memory_space<hbm>>
      %dma_start3A_382 = tpu.memref_squeeze %dma_start3A_381 : memref<1x16xf32, #tpu.memory_space<hbm>> -> memref<16xf32, #tpu.memory_space<hbm>>
      %dma_start3A_383 = arith.constant 0 : i32
      %dma_start3A_384 = tpu.memref_slice %arg6[%add3A, %dma_start3A_383] : memref<32x16xf32, #tpu.memory_space<hbm>> -> memref<1x16xf32, #tpu.memory_space<hbm>>
      %dma_start3A_385 = tpu.memref_squeeze %dma_start3A_384 : memref<1x16xf32, #tpu.memory_space<hbm>> -> memref<16xf32, #tpu.memory_space<hbm>>
      tpu.enqueue_dma source(%arg11 : memref<16xf32, #tpu.memory_space<vmem>>) target(%dma_start3A_385 : memref<16xf32, #tpu.memory_space<hbm>>) target_semaphore(%run_scoped3A : memref<!tpu.dma_semaphore, #tpu.memory_space<semaphore_mem>>)
      %dma_wait3A_386 = arith.constant 0 : i32
      %dma_wait3A_387 = tpu.memref_slice %arg6[%add3A, %dma_wait3A_386] : memref<32x16xf32, #tpu.memory_space<hbm>> -> memref<1x16xf32, #tpu.memory_space<hbm>>
      %dma_wait3A_388 = tpu.memref_squeeze %dma_wait3A_387 : memref<1x16xf32, #tpu.memory_space<hbm>> -> memref<16xf32, #tpu.memory_space<hbm>>
      %dma_wait3A_389 = arith.constant 0 : i32
      %dma_wait3A_390 = tpu.memref_slice %arg6[%add3A, %dma_wait3A_389] : memref<32x16xf32, #tpu.memory_space<hbm>> -> memref<1x16xf32, #tpu.memory_space<hbm>>
      %dma_wait3A_391 = tpu.memref_squeeze %dma_wait3A_390 : memref<1x16xf32, #tpu.memory_space<hbm>> -> memref<16xf32, #tpu.memory_space<hbm>>
      tpu.wait_dma2 semaphore(%run_scoped3A : memref<!tpu.dma_semaphore, #tpu.memory_space<semaphore_mem>>) src(%arg11 : memref<16xf32, #tpu.memory_space<vmem>>) dst(%dma_wait3A_391 : memref<16xf32, #tpu.memory_space<hbm>>)
      tpu.yield
    }) : () -> ()
    return
  }
}

</mosaic_0001>

<sc_bundles>
// kernel: kernel.3.cloned.1.call-start
scs
__scs_entry_jumppad:
0x0: {  	(pc) =	sbr.rel $0x88, $3  }
0x1: {  	(tag) =	ssettag $0x0;
	lr =	simm.s32 $0x1  }
0x2: {  	[smem:$0x3F9D] =	sst lr;
	_ =	strace $0xD0000000  }
0x3: {  	_ = 	snop  }
0x4: {  	_ = 	snop  }
0x5: {  	_ = 	snop  }
0x6: {  	_ = 	snop  }
0x7: {  	_ = 	snop  }
__scs_overlays_trampoline_lowered:
0x8: {  	[smem:$0x3FAC] =	sst s0  }
0x9: {  	[smem:$0x3FAD] =	sst s1  }
0xa: {  	[smem:$0x3FAE] =	sst s2  }
0xb: {  	[smem:$0x3FAF] =	sst s3  }
0xc: {  	[smem:$0x3FB0] =	sst s4  }
0xd: {  	[smem:$0x3FB1] =	sst s5  }
0xe: {  	[smem:$0x3FB2] =	sst s6  }
0xf: {  	[smem:$0x3FB3] =	sst s7  }
0x10: {  	[smem:$0x3FB4] =	sst s8  }
0x11: {  	[smem:$0x3FB5] =	sst s9;
	s0 =	simm.s32 @!p0 $0x0  }
0x12: {  	s1 =	sld [smem:$0x3F9B];
	s0 =	simm.s32 @p0 $0x1  }
0x13: {  	[smem:$0x3FB6] =	sst s0;
	s0 =	simm.s32 @!p1 $0x0  }
0x14: {  	s2 =	sld [smem:$0x3F9A];
	s0 =	simm.s32 @p1 $0x1  }
0x15: {  	[smem:$0x3FB7] =	sst s0;
	s0 =	simm.s32 @!p2 $0x0  }
0x16: {  	s3 =	sld [smem:$0x3FDB];
	s0 =	simm.s32 @p2 $0x1  }
0x17: {  	s4 =	simm.s32 $0x1BF5;
	[smem:$0x3FB9] =	sst s0  }
0x18: {  	s0 =	sld [smem:$0x3F9C];
	_ =	swait.ge [sflag:s4], $0x0  }
0x19: {  	s7 =	sld [smem:$0x3F9D]  }
0x1a: {  	s8 =	sadd.s32 $0xFFFFE003, lr  }
0x1b: {  	s9 =	sadd.s32 $0xFFFFFEF7, lr;
	s5 =	simm.s32 $0xFFFFFFFF;
	p2 =	slt.u32 s8, $0xFFFFF086  }
0x1c: {  	p1 =	slt.u32 s9, $0xF7A;
	s5 =	simm.s32 @!p2 $0x0  }
0x1d: {  	s5 =	simm.s32 @p1 $0x1;
	p0 =	seq.s32 s7, s2  }
0x1e: {  	s7 =	smul.u32 @!p0 $0xF7A, s2;
	p2 =	seq.s32 @!p0 s5, $0x0  }
0x1f: {  	s9 =	smul.u32 $0xF7A, s1;
	s8 =	simm.s32 @!p0 $0x1BF5;
	p2 =	por !p2, p0  }
0x20: {  	[sflag:s8] =	ssyncset.s32 @!p0 $0xFFFFF086;
	s6 =	sadd.s32 @!p0 s3, s7;
	s7 =	simm.s32 @!p0 $0x108  }
0x21: {  	s3 =	sadd.s32 s3, s9;
	s6 =	sadd.s32 @!p0 $0x88, s6;
	s7 =	simm.s32 @p2 $0x1082  }
0x22: {  	[simem:s7], [sflag:s8] =	dma.local @!p0 [hbm:s6], $0xF7A  }
0x23: {  	s9 =	sor.u32 $0xD0000000, s2;
	s6 =	simm.s32 $0x108;
	_ =	swait.ge @!p0 [sflag:s8], $0x0  }
0x24: {  	s3 =	sadd.s32 $0x88, s3;
	s6 =	simm.s32 @!p1 $0x1082;
	[sflag:s4] =	ssyncset.s32 $0xFFFFF086  }
0x25: {  	[simem:s6], [sflag:s4] =	dma.local [hbm:s3], $0xF7A  }
0x26: {  	[smem:$0x3F9D] =	sst s1;
	(tag) =	ssettag s2;
	_ =	strace s9  }
0x27: {  	s1 =	sld [smem:$0x3FAD]  }
0x28: {  	s2 =	sld [smem:$0x3FAE]  }
0x29: {  	s4 =	sld [smem:$0x3FB0]  }
0x2a: {  	p0 =	seq.s32 s5, $0x0;
	s5 =	sld [smem:$0x3FB1]  }
0x2b: {  	s6 =	sld [smem:$0x3FB2]  }
0x2c: {  	s7 =	sld [smem:$0x3FB3]  }
0x2d: {  	s3 =	simm.s32 $0x108;
	s8 =	sld [smem:$0x3FB4]  }
0x2e: {  	s3 =	simm.s32 @!p0 $0x1082;
	s9 =	sld [smem:$0x3FB5]  }
0x2f: {  	lr =	sadd.s32 s0, s3;
	s0 =	sld [smem:$0x3FAC]  }
0x30: {  	s3 =	sld [smem:$0x3FAF]  }
0x31: {  	[smem:$0x3FB8] =	sst s10  }
0x32: {  	s10 =	sld [smem:$0x3FB6];
	_ =	sdelay $0x3  }
0x33: {  	p0 =	seq.s32 s10, $0x1;
	s10 =	sld [smem:$0x3FB8];
	_ =	sdelay $0x3  }
0x34: {  	[smem:$0x3FB8] =	sst s10  }
0x35: {  	s10 =	sld [smem:$0x3FB7];
	_ =	sdelay $0x3  }
0x36: {  	p1 =	seq.s32 s10, $0x1;
	s10 =	sld [smem:$0x3FB8];
	_ =	sdelay $0x3  }
0x37: {  	[smem:$0x3FB8] =	sst s10  }
0x38: {  	s10 =	sld [smem:$0x3FB9]  }
0x39: {  	_ = 	snop;
	(pc) =	sbr.ind lr, $3  }
0x3a: {  	_ = 	snop  }
0x3b: {  	_ = 	snop  }
0x3c: {  	p2 =	seq.s32 s10, $0x1;
	s10 =	sld [smem:$0x3FB8]  }
0x3d: {  	_ =	shalt  }
0x3e: {  	_ =	shalt  }
0x3f: {  	_ =	shalt  }
0x40: {  	_ =	shalt  }
0x41: {  	_ =	shalt  }
0x42: {  	_ =	shalt  }
0x43: {  	_ =	shalt  }
0x44: {  	_ =	shalt  }
0x45: {  	_ =	shalt  }
0x46: {  	_ =	shalt  }
0x47: {  	_ =	shalt  }
0x48: {  	_ =	shalt  }
0x49: {  	_ =	shalt  }
0x4a: {  	_ =	shalt  }
0x4b: {  	_ =	shalt  }
0x4c: {  	_ =	shalt  }
0x4d: {  	_ =	shalt  }
0x4e: {  	_ =	shalt  }
0x4f: {  	_ =	shalt  }
0x50: {  	_ =	shalt  }
0x51: {  	_ =	shalt  }
0x52: {  	_ =	shalt  }
0x53: {  	_ =	shalt  }
0x54: {  	_ =	shalt  }
0x55: {  	_ =	shalt  }
0x56: {  	_ =	shalt  }
0x57: {  	_ =	shalt  }
0x58: {  	_ =	shalt  }
0x59: {  	_ =	shalt  }
0x5a: {  	_ =	shalt  }
0x5b: {  	_ =	shalt  }
0x5c: {  	_ =	shalt  }
0x5d: {  	_ =	shalt  }
0x5e: {  	_ =	shalt  }
0x5f: {  	_ =	shalt  }
0x60: {  	_ =	shalt  }
0x61: {  	_ =	shalt  }
0x62: {  	_ =	shalt  }
0x63: {  	_ =	shalt  }
0x64: {  	_ =	shalt  }
0x65: {  	_ =	shalt  }
0x66: {  	_ =	shalt  }
0x67: {  	_ =	shalt  }
0x68: {  	_ =	shalt  }
0x69: {  	_ =	shalt  }
0x6a: {  	_ =	shalt  }
0x6b: {  	_ =	shalt  }
0x6c: {  	_ =	shalt  }
0x6d: {  	_ =	shalt  }
0x6e: {  	_ =	shalt  }
0x6f: {  	_ =	shalt  }
0x70: {  	_ =	shalt  }
0x71: {  	_ =	shalt  }
0x72: {  	_ =	shalt  }
0x73: {  	_ =	shalt  }
0x74: {  	_ =	shalt  }
0x75: {  	_ =	shalt  }
0x76: {  	_ =	shalt  }
0x77: {  	_ =	shalt  }
0x78: {  	_ =	shalt  }
0x79: {  	_ =	shalt  }
0x7a: {  	_ =	shalt  }
0x7b: {  	_ =	shalt  }
0x7c: {  	_ =	shalt  }
0x7d: {  	_ =	shalt  }
0x7e: {  	_ =	shalt  }
0x7f: {  	_ =	shalt  }
0x80: {  	_ =	shalt  }
0x81: {  	_ =	shalt  }
0x82: {  	_ =	shalt  }
0x83: {  	_ =	shalt  }
0x84: {  	_ =	shalt  }
0x85: {  	_ =	shalt  }
0x86: {  	_ =	shalt  }
0x87: {  	_ =	shalt  }
.Lfunc_end0:
.L_simem_size_0:
called_computation_lowered:
.L_overlay_start_0:
0x88: {  	s2 =	sld [smem:$0x3FD9]  }
0x89: {  	s3 =	sld [smem:$0x3FFE];
	_ =	sdelay $0x1  }
0x8a: {  	s1 =	srdreg.scid  }
0x8b: {  	s0 =	sand.u32 $0x1, s1  }
0x8c: {  	s17 =	sshll.u32 s0, $0xA;
	s2 =	sadd.s32 s3, s2  }
0x8d: {  	s2 =	sadd.s32 s2, s17  }
0x8e: {  	[smem:$0x3FC4] =	sst s2  }
0x8f: {  	_ = 	snop  }
0x90: {  	s2 =	sld [smem:$0x3FC9]  }
0x91: {  	s18 =	sld [smem:$0x3FC7]  }
0x92: {  	s4 =	sld [smem:$0x3FC6];
	(tm) =	ssettm $0x1  }
0x93: {  	s5 =	sld [smem:$0x3FFB];
	_ =	sdelay $0x3  }
0x94: {  	_ =	strace s5  }
0x95: {  	s5 =	sld [smem:$0x3FFC];
	_ =	sdelay $0x3  }
0x96: {  	_ =	strace s5  }
0x97: {  	s5 =	sld [smem:$0x3FFD];
	_ =	sdelay $0x3  }
0x98: {  	_ =	strace s5  }
0x99: {  	_ =	strace $0x8FFFFFFF  }
0x9a: {  	s19 =	sld [smem:$0x3FDB];
	_ =	sdelay $0x1  }
0x9b: {  	s6 =	simm.s32 $_scs_section_size  }
0x9c: {  	s7 =	simm.s32 $_size__tile_overlayer_lowered;
	s8 =	simm.s32 $_tile_overlayer_lowered  }
0x9d: {  	s22 =	simm.s32 $0x1BFF;
	s21 =	sshll.u32 s8, $0x1;
	s5 =	sadd.s32 s6, s19  }
0x9e: {  	s9 =	simm.s32 $0x0;
	s20 =	sshll.u32 s7, $0x1;
	s7 =	sadd.s32 s21, s5  }
0x9f: {  	[timem:s9], [sflag:s22] =	dma.local [hbm:s7], s20  }
0xa0: {  	_ =	swait.ge [sflag:s22], s20  }
0xa1: {  	s6 =	ssub.s32 $0x0, s20;
	[sflag:s22] =	ssyncset.done $0x0  }
0xa2: {  	[sflag:s22] =	ssyncadd.s32 s6;
	_ =	sdelay $0x1  }
0xa3: {  	s23 =	simm.s32 $0x1B8B  }
0xa4: {  	_ =	swait.ge [sflag:s23], $0x1  }
0xa5: {  	[sflag:s23] =	ssyncset.done $0x0  }
0xa6: {  	s25 =	simm.s32 $0x1B8E;
	s24 =	sld [smem:$0x3FFE];
	[sflag:s23] =	ssyncadd.s32 $0xFFFFFFFF  }
0xa7: {  	s26 =	simm.s32 $execute0_lowered;
	[smem:$0x3FD2] =	sst s25  }
0xa8: {  	s7 =	sshll.u32 s26, $0x1;
	_ =	strace $0x80000046;
	[dreg:$0x1] =	wrdreg $0xFFFFFFFF  }
0xa9: {  	s28 =	simm.s32 $_size_execute0_lowered;
	s5 =	sadd.s32 s5, s7;
	[dreg:$0x0] =	wrdreg $0x0  }
0xaa: {  	s7 =	sshll.u32 s28, $0x1;
	[dreg:$0x2] =	wrdreg s5  }
0xab: {  	[dreg:$0x3] =	wrdreg s7  }
0xac: {  	[dreg:$0x4] =	wrdreg $0xC0  }
0xad: {  	_ =	task [dreg:s9], $0x5FFFF  }
0xae: {  	[dreg:$0x1] =	wrdreg $0xFFFFFFFF  }
0xaf: {  	[dreg:$0x0] =	wrdreg $0x60  }
0xb0: {  	[dreg:$0x2] =	wrdreg s2  }
0xb1: {  	[dreg:$0x3] =	wrdreg s24  }
0xb2: {  	[dreg:$0x4] =	wrdreg s18  }
0xb3: {  	[dreg:$0x5] =	wrdreg s4  }
0xb4: {  	[dreg:$0x6] =	wrdreg $0x9  }
0xb5: {  	_ =	task.clear_ibuf [dreg:s9], $0x7FFFF;
	_ =	strace $0x90000046  }
0xb6: {  	s29 =	simm.s32 $0x9;
	_ =	strace $0x80000048  }
0xb7: {  	_ =	swait.ge [sflag:s29], $0x1  }
0xb8: {  	[sflag:s29] =	ssyncadd.s32 $0xFFFFFFFF  }
0xb9: {  	_ =	strace $0x90000048  }
0xba: {  	_ =	sfence  }
0xbb: {  	s30 =	sld [smem:$0x0];
	_ =	sdelay $0x2  }
0xbc: {  	s31 =	sshll.u32 s1, $0xD;
	s1 =	sshrl.u32 s1, $0x2  }
0xbd: {  	s3 =	sand.u32 $0x4000, s31;
	s1 =	sadd.s32 s1, s30  }
0xbe: {  	s0 =	sor.u32 s3, s0;
	s1 =	sshll.u32 s1, $0x11  }
0xbf: {  	s0 =	sor.u32 s1, s0  }
0xc0: {  	s0 =	sadd.s32 $0x8F2B, s0  }
0xc1: {  	[sflag:s0] =	ssyncadd.remote.s32 $0x1  }
0xc2: {  	_ =	sfence.sel $0xFFFF  }
0xc3: {  	[dreg:$0x0] =	wrdreg $0xFFFFFFFF;
	(pc) =	sbr.abs _section_cstart, $3  }
0xc4: {  	[dreg:$0x1] =	wrdreg $0xFFFFFFFF  }
0xc5: {  	_ =	task.clear_ibuf [dreg:s9], $0x2FFFF;
	_ =	strace $0x9FFFFFFF  }
0xc6: {  	(tm) =	ssettm $0x7FFFFFFF  }
0xc7: {  	_ =	shalt  }
tec
execute0_lowered:
.L_overlay_start_1:
0x0: {  	(tag) =	ssettag $0x1  }
0x1: {  	s5 =	rddreg [dreg:$0x0]  }
0x2: {  	s7 =	rddreg [dreg:$0x1]  }
0x3: {  	s1 =	srdreg.scid;
	s2 =	rddreg [dreg:$0x2]  }
0x4: {  	s0 =	stileid.u32;
	s3 =	rddreg [dreg:$0x3];
	s4 =	simm.s32 $0x0  }
0x5: {  	s9 =	simm.s32 $0x1;
	s13 =	simm.s32 $0x1000;
	s14 =	simm.s32 $0x2  }
0x6: {  	s16 =	simm.s32 $0x11800;
	s6 =	sand.u32 $0x1, s1;
	s28 =	sshll.u32 s0, $0x1  }
0x7: {  	s17 =	simm.s32 $0x0;
	s1 =	rddreg [dreg:$0x4];
	s8 =	sor.u32 s6, s28  }
0x8: {  	[smem:$0x7FF] =	sst s4;
	p1 =	seq.s32 s6, $0x1;
	p0 =	seq.s32 s8, $0x0  }
0x9: {  	_ =	strace $0x80000047;
	s11 =	ssub.s32 $0x2, s6;
	p0 =	por !p0, !p1  }
0xa: {  	s29 =	sshll.u32 s6, $0x8;
	s6 =	simm.s32 $0x1;
	p0 =	por !p0, !p0  }
0xb: {  	s10 =	sshll.u32 s8, $0x4;
	s12 =	sshrl.u32 s11, $0x1;
	s9 =	simm.s32 @!p0 $0x0  }
0xc: {  	s30 =	sshll.u32 s8, $0xE;
	s15 =	sadd.s32 $0xFFFFFF00, s29;
	s9 =	ssub.s32 s0, s9  }
0xd: {  	s10 =	sadd.s32 s10, s7;
	s11 =	ssub.s32 s11, s12;
	s9 =	smul.u32 $0x7D0, s9  }
0xe: {  	s5 =	sadd.s32 s5, s30;
	s12 =	simm.s32 $0x800;
	v0 =	vmov s15;
	s15 =	simm.s32 $0x3  }
0xf: {  	s8 =	sadd.s32 $0x2000, s5;
	s31 =	sshrl.u32 s9, $0x3;
	s9 =	sadd.s32 $0x1000, s10  }
0x10: {  	s10 =	smax.u32 s11, $0x1;
	s11 =	simm.s32 $0x1800;
	s7 =	sadd.s32 s7, s31  }
.LBB2_1:
0x11: {  	[tilespmem:s11], [sflag:$0x2] =	stream.linear.gather [hbm4b:s5+s4], $0x10000, $0x38;
	[tilespmem:$0x11880] =	vst v63  }
0x12: {  	_ = 	snop  }
0x13: {  	[tilespmem:s4], [sflag:$0x1] =	stream.linear.gather [hbm4b:s2+s4], $0x800, $0x38;
	[tilespmem:$0x11880] =	vst v63  }
0x14: {  	_ = 	snop  }
0x15: {  	[tilespmem:s12], [sflag:$0x1] =	stream.linear.gather [hbm4b:s3+s4], $0x800, $0x38;
	[tilespmem:$0x11880] =	vst v63  }
0x16: {  	_ = 	snop  }
0x17: {  	[tilespmem:s13], [sflag:$0x1] =	stream.linear.gather [hbm4b:s7+s4], $0x7D0, $0x38;
	[tilespmem:$0x11880] =	vst v63  }
0x18: {  	_ =	swait.ge [sflag:s6], $0x800  }
0x19: {  	[sflag:s6] =	ssyncset.done $0x0  }
0x1a: {  	[sflag:s6] =	ssyncadd.s32 $0xFFFFF800  }
0x1b: {  	_ =	swait.ge [sflag:s6], $0x800  }
0x1c: {  	[sflag:s6] =	ssyncset.done $0x0  }
0x1d: {  	[sflag:s6] =	ssyncadd.s32 $0xFFFFF800  }
0x1e: {  	_ =	swait.ge [sflag:s6], $0x7D0  }
0x1f: {  	[sflag:s6] =	ssyncset.done $0x0  }
0x20: {  	s18 =	simm.s32 $0x20;
	[sflag:s6] =	ssyncadd.s32 $0xFFFFF830  }
0x21: {  	v1 =	vld [tilespmem:s18+$0xFFFFFFE0]  }
0x22: {  	s19 =	simm.s32 $0x820  }
0x23: {  	v2 =	vld [tilespmem:s19+$0xFFFFFFE0];
	_ =	sdelay $0x2  }
0x24: {  	v1 =	vsub.s32 v1, v0  }
0x25: {  	v1 =	vshll.u32 v1, $0x9  }
0x26: {  	v1 =	vor.u32 v2, v1;
	v2 =	vld [tilespmem:s18+$0xFFFFFFF0]  }
0x27: {  	[tilespmem:s18+$0xFFFFFFE0] =	vst v1  }
0x28: {  	v1 =	vld [tilespmem:s19+$0xFFFFFFF0];
	_ =	sdelay $0x2  }
0x29: {  	v2 =	vsub.s32 v2, v0  }
0x2a: {  	v2 =	vshll.u32 v2, $0x9  }
0x2b: {  	v1 =	vor.u32 v1, v2;
	v2 =	vld [tilespmem:s18+$0x0]  }
0x2c: {  	[tilespmem:s18+$0xFFFFFFF0] =	vst v1  }
0x2d: {  	v1 =	vld [tilespmem:s19+$0x0];
	_ =	sdelay $0x2  }
0x2e: {  	v2 =	vsub.s32 v2, v0  }
0x2f: {  	v2 =	vshll.u32 v2, $0x9  }
0x30: {  	v3 =	vld [tilespmem:s18+$0x10];
	v1 =	vor.u32 v1, v2  }
0x31: {  	[tilespmem:s18+$0x0] =	vst v1  }
0x32: {  	v1 =	vld [tilespmem:s19+$0x10];
	_ =	sdelay $0x2  }
0x33: {  	v2 =	vsub.s32 v3, v0  }
0x34: {  	s20 =	simm.s32 $0x0;
	s21 =	simm.s32 $0x60;
	v2 =	vshll.u32 v2, $0x9  }
.LBB2_2:
0x35: {  	v3 =	vld [tilespmem:s21+$0xFFFFFFE0];
	s20 =	sadd.s32 $0x4, s20;
	v1 =	vor.u32 v1, v2  }
0x36: {  	s19 =	sadd.s32 $0x40, s19;
	p0 =	slt.u32 s20, $0x78;
	[tilespmem:s18+$0x10] =	vst v1;
	s18 =	smov.u32 s21  }
0x37: {  	v1 =	vld [tilespmem:s19+$0xFFFFFFE0];
	_ =	sdelay $0x2  }
0x38: {  	v2 =	vsub.s32 v3, v0  }
0x39: {  	v2 =	vshll.u32 v2, $0x9  }
0x3a: {  	v1 =	vor.u32 v1, v2;
	v2 =	vld [tilespmem:s21+$0xFFFFFFF0]  }
0x3b: {  	[tilespmem:s21+$0xFFFFFFE0] =	vst v1  }
0x3c: {  	v1 =	vld [tilespmem:s19+$0xFFFFFFF0];
	_ =	sdelay $0x2  }
0x3d: {  	v2 =	vsub.s32 v2, v0  }
0x3e: {  	v2 =	vshll.u32 v2, $0x9  }
0x3f: {  	v1 =	vor.u32 v1, v2;
	v2 =	vld [tilespmem:s21+$0x0]  }
0x40: {  	[tilespmem:s21+$0xFFFFFFF0] =	vst v1  }
0x41: {  	v1 =	vld [tilespmem:s19+$0x0];
	_ =	sdelay $0x2  }
0x42: {  	v2 =	vsub.s32 v2, v0  }
0x43: {  	v2 =	vshll.u32 v2, $0x9  }
0x44: {  	v1 =	vor.u32 v1, v2;
	v2 =	vld [tilespmem:s21+$0x10]  }
0x45: {  	[tilespmem:s21+$0x0] =	vst v1  }
.Ltmp0:
0x46: {  	v1 =	vld [tilespmem:s19+$0x10];
	(pc) =	sbr.rel @p0 .LBB2_2-.Ltmp0, $3  }
0x47: {  	_ =	sdelay $0x1  }
0x48: {  	v2 =	vsub.s32 v2, v0  }
0x49: {  	s21 =	sadd.s32 $0x40, s21;
	v2 =	vshll.u32 v2, $0x9  }
0x4a: {  	v1 =	vor.u32 v1, v2  }
0x4b: {  	[tilespmem:s18+$0x10] =	vst v1  }
0x4c: {  	v1 =	vld [tilespmem:$0x7C0];
	_ =	sdelay $0x1  }
0x4d: {  	v2 =	vld [tilespmem:$0xFC0];
	_ =	sdelay $0x2  }
0x4e: {  	v1 =	vsub.s32 v1, v0  }
0x4f: {  	v1 =	vshll.u32 v1, $0x9  }
0x50: {  	v1 =	vor.u32 v2, v1  }
0x51: {  	[tilespmem:$0x7C0] =	vst v1  }
0x52: {  	_ =	swait.ge [sflag:s14], $0x10000  }
0x53: {  	[sflag:s14] =	ssyncset.done $0x0  }
0x54: {  	s31 =	simm.s32 $0x40;
	[sflag:s14] =	ssyncadd.s32 $0xFFFF0000  }
0x55: {  	v6 =	vld [tilespmem:s31+$0x20]  }
0x56: {  	v12 =	vld [tilespmem:s31+$0x10]  }
0x57: {  	v13 =	vld [tilespmem:s31+$0x0]  }
0x58: {  	v15 =	vld [tilespmem:s31+$0xFFFFFFF0]  }
0x59: {  	v14 =	vld [tilespmem:s31+$0xFFFFFFE0]  }
0x5a: {  	v11 =	vimm.f32 $0.0e+00;
	v9 =	vand.u32 $0xFFFF0000, v6;
	v7 =	vshrl.u32 v6, $0x2  }
0x5b: {  	v16 =	vld [tilespmem:s31+$0xFFFFFFC0];
	v10 =	vshll.u32 v6, $0x3;
	v8 =	vand.u32 $0xF07F, v6;
	v22 =	vand.u32 $0xFFFF0000, v12  }
0x5c: {  	v23 =	vshrl.u32 v12, $0x2;
	v24 =	vshll.u32 v12, $0x3;
	v25 =	vand.u32 $0xF07F, v12  }
0x5d: {  	v19 =	vand.u32 $0xFFFF0000, v13;
	v20 =	vshll.u32 v13, $0x3;
	v26 =	vshrl.u32 v13, $0x2  }
0x5e: {  	v17 =	vand.u32 $0xFFFF0000, v15;
	v18 =	vshrl.u32 v15, $0x2;
	v12 =	vand.u32 $0xFFFF0000, v14  }
0x5f: {  	v27 =	vshrl.u32 v14, $0x2;
	v28 =	vshll.u32 v15, $0x3;
	v31 =	vshll.u32 v14, $0x3  }
0x60: {  	v6 =	vld [tilespmem:s31+$0xFFFFFFD0];
	v32 =	vand.u32 $0xFFFF0000, v16;
	v33 =	vshll.u32 v16, $0x3;
	v35 =	vshrl.u32 v16, $0x2  }
0x61: {  	v16 =	vand.u32 $0xF07F, v16;
	v14 =	vand.u32 $0xF07F, v14;
	v63 =	vand.u32 $0xF07F, v15  }
0x62: {  	v13 =	vand.u32 $0xF07F, v13;
	v33 =	vand.u32 $0xC00, v33;
	vm5 =	veq.s32 v32, $0x20000  }
0x63: {  	v59 =	vand.u32 $0x380, v35;
	v62 =	vand.u32 $0xC00, v31;
	vm3 =	veq.s32 v12, $0x20000  }
0x64: {  	v27 =	vand.u32 $0x380, v27;
	vm6 =	veq.s32 v17, $0x20000;
	v16 =	vor.u32 v33, v16  }
0x65: {  	v4 =	vld [tilespmem:s31+$0x30];
	v16 =	vor.u32 v59, v16;
	v29 =	vand.u32 $0xFFFF0000, v6;
	v34 =	vshll.u32 v6, $0x3  }
0x66: {  	s18 =	simm.s32 $0x1040;
	v30 =	vshrl.u32 v6, $0x2;
	v6 =	vand.u32 $0xF07F, v6;
	v60 =	vand.u32 $0xC00, v34  }
0x67: {  	v12 =	vld [tilespmem:s18+$0x0];
	vm4 =	veq.s32 v29, $0x20000;
	v61 =	vand.u32 $0x380, v30;
	v6 =	vor.u32 v60, v6  }
0x68: {  	v17 =	vld [tilespmem:s18+$0xFFFFFFC0];
	v20 =	vand.u32 $0xC00, v20;
	v14 =	vor.u32 v62, v14;
	v29 =	vor.u32 v61, v6  }
0x69: {  	v28 =	vand.u32 $0xC00, v28;
	v13 =	vor.u32 v20, v13;
	v20 =	vld [tilespmem:s18+$0xFFFFFFD0];
	v27 =	vor.u32 v27, v14  }
0x6a: {  	v21 =	vand.u32 $0xFFFF0000, v4;
	v15 =	vld.idx.msk [tilespmem:v16+s11+$0x0], vm5;
	v16 =	vand.u32 $0x380, v18;
	v18 =	vor.u32 v28, v63  }
0x6b: {  	v3 =	vshrl.u32 v4, $0x2;
	v5 =	vshll.u32 v4, $0x3;
	v14 =	vld [tilespmem:s18+$0xFFFFFFE0];
	v18 =	vor.u32 v16, v18  }
0x6c: {  	v4 =	vand.u32 $0xF07F, v4;
	vm1 =	veq.s32 v19, $0x20000;
	v19 =	vand.u32 $0x380, v26;
	v6 =	vld [tilespmem:s18+$0x20]  }
0x6d: {  	v24 =	vand.u32 $0xC00, v24;
	vm0 =	veq.s32 v21, $0x20000;
	v19 =	vor.u32 v19, v13;
	v16 =	vld.idx.msk [tilespmem:v29+s11+$0x0], vm4  }
0x6e: {  	s19 =	simm.s32 $0x0;
	s20 =	simm.s32 $0xC0;
	vm2 =	veq.s32 v22, $0x20000;
	v21 =	vand.u32 $0x380, v23;
	v22 =	vor.u32 v24, v25;
	v13 =	vld.idx.msk [tilespmem:v27+s11+$0x0], vm3  }
.LBB2_4:
0x6f: {  	v23 =	vld [tilespmem:s20+$0x30];
	v21 =	vor.u32 v21, v22;
	vm7 =	veq.s32 v9, $0x20000;
	v9 =	vand.u32 $0xC00, v10  }
0x70: {  	v7 =	vand.u32 $0x380, v7;
	v10 =	vsub.f32 v15, v17;
	v15 =	vld.idx.msk [tilespmem:v18+s11+$0x0], vm6;
	v8 =	vor.u32 v9, v8  }
0x71: {  	v5 =	vand.u32 $0xC00, v5;
	v3 =	vand.u32 $0x380, v3;
	v9 =	vld [tilespmem:s18+$0xFFFFFFF0];
	v7 =	vor.u32 v7, v8  }
0x72: {  	v4 =	vor.u32 v5, v4;
	v8 =	vand.u32 $0x7FFFFFFF, v10;
	v10 =	vsub.f32 v16, v20;
	v16 =	vld.idx.msk [tilespmem:v19+s11+$0x0], vm1  }
0x73: {  	v17 =	vld [tilespmem:s20+$0x20];
	v5 =	vnsel vm5, $0x0, v8;
	v8 =	vor.u32 v3, v4  }
0x74: {  	v4 =	vadd.f32 v5, v11;
	v5 =	vand.u32 $0x7FFFFFFF, v10;
	v10 =	vsub.f32 v13, v14;
	v11 =	vld.idx.msk [tilespmem:v21+s11+$0x0], vm2  }
0x75: {  	v13 =	vand.u32 $0xFFFF0000, v23;
	v3 =	vshrl.u32 v23, $0x2;
	v5 =	vnsel vm4, $0x0, v5;
	v14 =	vld [tilespmem:s18+$0x10]  }
0x76: {  	v18 =	vadd.f32 v5, v4;
	v10 =	vand.u32 $0x7FFFFFFF, v10;
	v9 =	vsub.f32 v15, v9;
	v15 =	vld.idx.msk [tilespmem:v7+s11+$0x0], vm7  }
0x77: {  	v5 =	vshll.u32 v23, $0x3;
	v4 =	vand.u32 $0xF07F, v23;
	v19 =	vld [tilespmem:s20+$0x10];
	v7 =	vnsel vm3, $0x0, v10  }
0x78: {  	v12 =	vsub.f32 v16, v12;
	v10 =	vadd.f32 v7, v18;
	v18 =	vand.u32 $0x7FFFFFFF, v9;
	v16 =	vld.idx.msk [tilespmem:v8+s11+$0x0], vm0  }
0x79: {  	v9 =	vand.u32 $0xFFFF0000, v17;
	v7 =	vshrl.u32 v17, $0x2;
	v8 =	vnsel vm6, $0x0, v18;
	v18 =	vld [tilespmem:s18+$0x30]  }
0x7a: {  	v12 =	vand.u32 $0x7FFFFFFF, v12;
	v20 =	vadd.f32 v8, v10;
	v11 =	vsub.f32 v11, v14  }
0x7b: {  	v10 =	vshll.u32 v17, $0x3;
	v8 =	vand.u32 $0xF07F, v17;
	v12 =	vnsel vm1, $0x0, v12;
	v21 =	vld [tilespmem:s20+$0x0]  }
0x7c: {  	v6 =	vsub.f32 v15, v6;
	v12 =	vadd.f32 v12, v20;
	v11 =	vand.u32 $0x7FFFFFFF, v11  }
0x7d: {  	v22 =	vand.u32 $0xFFFF0000, v19;
	v23 =	vshrl.u32 v19, $0x2;
	v15 =	vld [tilespmem:s20+$0xFFFFFFF0];
	v11 =	vnsel vm2, $0x0, v11  }
0x7e: {  	v6 =	vand.u32 $0x7FFFFFFF, v6;
	v14 =	vld [tilespmem:s20+$0xFFFFFFE0];
	v11 =	vadd.f32 v11, v12;
	v12 =	vsub.f32 v16, v18  }
0x7f: {  	v24 =	vshll.u32 v19, $0x3;
	v25 =	vand.u32 $0xF07F, v19;
	v6 =	vnsel vm7, $0x0, v6;
	v16 =	vld [tilespmem:s20+$0xFFFFFFD0]  }
0x80: {  	s19 =	sadd.s32 $0x8, s19;
	v17 =	vld [tilespmem:s20+$0xFFFFFFC0];
	v19 =	vand.u32 $0xFFFF0000, v21;
	v6 =	vadd.f32 v6, v11;
	v11 =	vand.u32 $0x7FFFFFFF, v12  }
0x81: {  	p0 =	slt.u32 s19, $0x70;
	v20 =	vshll.u32 v21, $0x3;
	v26 =	vshrl.u32 v21, $0x2;
	v11 =	vnsel vm0, $0x0, v11  }
0x82: {  	v18 =	vand.u32 $0xFFFF0000, v15;
	v27 =	vshrl.u32 v15, $0x2;
	v11 =	vadd.f32 v11, v6  }
0x83: {  	v29 =	vshll.u32 v15, $0x3;
	v12 =	vand.u32 $0xFFFF0000, v14;
	v28 =	vshrl.u32 v14, $0x2  }
0x84: {  	v31 =	vshll.u32 v14, $0x3;
	v6 =	vand.u32 $0xFFFF0000, v16;
	v30 =	vshrl.u32 v16, $0x2  }
0x85: {  	v34 =	vshll.u32 v16, $0x3;
	v32 =	vand.u32 $0xFFFF0000, v17;
	v33 =	vshll.u32 v17, $0x3  }
0x86: {  	v35 =	vshrl.u32 v17, $0x2;
	v17 =	vand.u32 $0xF07F, v17;
	v33 =	vand.u32 $0xC00, v33  }
0x87: {  	vm5 =	veq.s32 v32, $0x20000;
	v32 =	vand.u32 $0x380, v35;
	v17 =	vor.u32 v33, v17  }
0x88: {  	v16 =	vand.u32 $0xF07F, v16;
	v17 =	vor.u32 v32, v17;
	v32 =	vand.u32 $0xC00, v34  }
0x89: {  	s18 =	sadd.s32 $0x80, s18;
	vm4 =	veq.s32 v6, $0x20000;
	v6 =	vand.u32 $0x380, v30;
	v16 =	vor.u32 v32, v16  }
0x8a: {  	v14 =	vand.u32 $0xF07F, v14;
	v30 =	vand.u32 $0xC00, v31;
	v16 =	vor.u32 v6, v16;
	v6 =	vld [tilespmem:s18+$0x20]  }
0x8b: {  	vm3 =	veq.s32 v12, $0x20000;
	v28 =	vand.u32 $0x380, v28;
	v14 =	vor.u32 v30, v14;
	v12 =	vld [tilespmem:s18+$0x0]  }
0x8c: {  	v29 =	vand.u32 $0xC00, v29;
	v30 =	vand.u32 $0xF07F, v15;
	v28 =	vor.u32 v28, v14;
	v14 =	vld [tilespmem:s18+$0xFFFFFFE0]  }
.Ltmp1:
0x8d: {  	vm6 =	veq.s32 v18, $0x20000;
	v18 =	vand.u32 $0x380, v27;
	v27 =	vor.u32 v29, v30;
	v15 =	vld.idx.msk [tilespmem:v17+s11+$0x0], vm5;
	(pc) =	sbr.rel @p0 .LBB2_4-.Ltmp1, $4  }
0x8e: {  	v21 =	vand.u32 $0xF07F, v21;
	v20 =	vand.u32 $0xC00, v20;
	v18 =	vor.u32 v18, v27;
	v17 =	vld [tilespmem:s18+$0xFFFFFFC0]  }
0x8f: {  	vm1 =	veq.s32 v19, $0x20000;
	v19 =	vand.u32 $0x380, v26;
	v21 =	vor.u32 v20, v21;
	v16 =	vld.idx.msk [tilespmem:v16+s11+$0x0], vm4  }
0x90: {  	v24 =	vand.u32 $0xC00, v24;
	vm0 =	veq.s32 v13, $0x20000;
	v19 =	vor.u32 v19, v21;
	v20 =	vld [tilespmem:s18+$0xFFFFFFD0]  }
0x91: {  	vm2 =	veq.s32 v22, $0x20000;
	v22 =	vor.u32 v24, v25;
	s20 =	sadd.s32 $0x80, s20;
	v21 =	vand.u32 $0x380, v23;
	v13 =	vld.idx.msk [tilespmem:v28+s11+$0x0], vm3  }
0x92: {  	_ =	sdelay $0x4  }
0x93: {  	v21 =	vor.u32 v21, v22;
	vm7 =	veq.s32 v9, $0x20000;
	v9 =	vld.idx.msk [tilespmem:v19+s11+$0x0], vm1  }
0x94: {  	v10 =	vand.u32 $0xC00, v10;
	v15 =	vsub.f32 v15, v17;
	v17 =	vld.idx.msk [tilespmem:v18+s11+$0x0], vm6  }
0x95: {  	v7 =	vand.u32 $0x380, v7;
	v18 =	vld [tilespmem:s18+$0xFFFFFFF0];
	v8 =	vor.u32 v10, v8  }
0x96: {  	v7 =	vor.u32 v7, v8;
	v15 =	vand.u32 $0x7FFFFFFF, v15;
	v16 =	vsub.f32 v16, v20  }
0x97: {  	v5 =	vand.u32 $0xC00, v5;
	v15 =	vnsel vm5, $0x0, v15  }
0x98: {  	v13 =	vsub.f32 v13, v14;
	v11 =	vadd.f32 v15, v11;
	v15 =	vand.u32 $0x7FFFFFFF, v16;
	v14 =	vld.idx.msk [tilespmem:v21+s11+$0x0], vm2  }
0x99: {  	v4 =	vor.u32 v5, v4;
	v16 =	vld [tilespmem:s18+$0x10];
	v5 =	vsub.f32 v9, v12;
	v15 =	vnsel vm4, $0x0, v15  }
0x9a: {  	v11 =	vadd.f32 v15, v11;
	v15 =	vsub.f32 v17, v18;
	v17 =	vld [tilespmem:$0x780]  }
0x9b: {  	v3 =	vand.u32 $0x380, v3;
	v13 =	vand.u32 $0x7FFFFFFF, v13;
	v7 =	vld.idx.msk [tilespmem:v7+s11+$0x0], vm7  }
0x9c: {  	v3 =	vor.u32 v3, v4;
	v10 =	vnsel vm3, $0x0, v13;
	v5 =	vand.u32 $0x7FFFFFFF, v5  }
0x9d: {  	v5 =	vnsel vm1, $0x0, v5;
	v10 =	vadd.f32 v10, v11;
	v11 =	vand.u32 $0x7FFFFFFF, v15  }
0x9e: {  	v9 =	vnsel vm6, $0x0, v11;
	v11 =	vld [tilespmem:$0x790];
	v8 =	vsub.f32 v14, v16;
	v16 =	vand.u32 $0xF000, v1  }
0x9f: {  	v4 =	vadd.f32 v9, v10;
	v9 =	vshll.u32 v17, $0x3;
	v10 =	vshrl.u32 v17, $0x2  }
0xa0: {  	v12 =	vand.u32 $0xF07F, v17;
	v14 =	vand.u32 $0xFFFF0000, v17;
	v6 =	vsub.f32 v7, v6  }
0xa1: {  	v13 =	vld [tilespmem:$0x7A0];
	v9 =	vand.u32 $0xC00, v9;
	v10 =	vand.u32 $0x380, v10;
	vm3 =	veq.s32 v14, $0x20000  }
0xa2: {  	v4 =	vadd.f32 v5, v4;
	v5 =	vand.u32 $0x7FFFFFFF, v8;
	v9 =	vor.u32 v9, v12  }
0xa3: {  	v5 =	vnsel vm2, $0x0, v5;
	v9 =	vor.u32 v10, v9;
	v10 =	vshll.u32 v11, $0x3  }
0xa4: {  	v12 =	vshrl.u32 v11, $0x2;
	v14 =	vand.u32 $0xF07F, v11;
	v11 =	vand.u32 $0xFFFF0000, v11  }
0xa5: {  	v15 =	vld [tilespmem:$0x7B0];
	v4 =	vadd.f32 v5, v4;
	v5 =	vand.u32 $0x7FFFFFFF, v6;
	v10 =	vand.u32 $0xC00, v10  }
0xa6: {  	v12 =	vand.u32 $0x380, v12;
	vm4 =	veq.s32 v11, $0x20000;
	v11 =	vshll.u32 v13, $0x3  }
0xa7: {  	v5 =	vnsel vm7, $0x0, v5;
	v10 =	vor.u32 v10, v14;
	v11 =	vand.u32 $0xC00, v11  }
0xa8: {  	v14 =	vand.u32 $0xF07F, v13;
	v10 =	vor.u32 v12, v10;
	v12 =	vshrl.u32 v13, $0x2  }
0xa9: {  	v13 =	vand.u32 $0xFFFF0000, v13;
	v11 =	vor.u32 v11, v14;
	v12 =	vand.u32 $0x380, v12  }
0xaa: {  	v14 =	vand.u32 $0xF07F, v15;
	v11 =	vor.u32 v12, v11;
	v12 =	vshll.u32 v15, $0x3  }
0xab: {  	v3 =	vld.idx.msk [tilespmem:v3+s11+$0x0], vm0;
	vm5 =	veq.s32 v13, $0x20000;
	v13 =	vshrl.u32 v15, $0x2;
	v12 =	vand.u32 $0xC00, v12  }
0xac: {  	v4 =	vadd.f32 v5, v4;
	v13 =	vand.u32 $0x380, v13;
	v12 =	vor.u32 v12, v14;
	v14 =	vld [tilespmem:s18+$0x30]  }
0xad: {  	v8 =	vld [tilespmem:$0x1790];
	v15 =	vand.u32 $0xFFFF0000, v15;
	v12 =	vor.u32 v13, v12;
	v13 =	vshll.u32 v2, $0x3  }
0xae: {  	v5 =	vld [tilespmem:$0x17B0];
	vm6 =	veq.s32 v15, $0x20000;
	v2 =	vand.u32 $0x7F, v2;
	v13 =	vand.u32 $0xC00, v13  }
0xaf: {  	v9 =	vld.idx.msk [tilespmem:v9+s11+$0x0], vm3;
	v15 =	vand.u32 $0xFFFF0000, v1;
	v1 =	vshrl.u32 v1, $0x2;
	v2 =	vor.u32 v2, v13  }
0xb0: {  	vm8 =	veq.s32 v15, $0x20000;
	v1 =	vand.u32 $0x380, v1;
	v10 =	vld.idx.msk [tilespmem:v10+s11+$0x0], vm4;
	v2 =	vor.u32 v16, v2  }
0xb1: {  	v1 =	vor.u32 v1, v2;
	v2 =	vld [tilespmem:$0x1780];
	v3 =	vsub.f32 v3, v14  }
0xb2: {  	v7 =	vld.idx.msk [tilespmem:v11+s11+$0x0], vm5  }
0xb3: {  	v11 =	vld [tilespmem:$0x17A0];
	v3 =	vand.u32 $0x7FFFFFFF, v3  }
0xb4: {  	v6 =	vld.idx.msk [tilespmem:v12+s11+$0x0], vm6;
	v3 =	vnsel vm0, $0x0, v3  }
0xb5: {  	v3 =	vadd.f32 v3, v4;
	v4 =	vsub.f32 v10, v8;
	v8 =	vld [tilespmem:$0x17C0]  }
0xb6: {  	v1 =	vld.idx.msk [tilespmem:v1+s11+$0x0], vm8;
	v2 =	vsub.f32 v9, v2;
	[tilespmem:s11], [sflag:$0x3] =	stream.linear.gather [hbm4b:s8+s4], $0x10000, $0x38;
	[tilespmem:$0x11880] =	vst v63  }
0xb7: {  	_ =	swait.ge [sflag:s15], $0x10000  }
0xb8: {  	v2 =	vand.u32 $0x7FFFFFFF, v2;
	[sflag:s15] =	ssyncset.done $0x0  }
0xb9: {  	s31 =	simm.s32 $0x40;
	v2 =	vnsel vm3, $0x0, v2;
	[sflag:s15] =	ssyncadd.s32 $0xFFFF0000  }
0xba: {  	v2 =	vadd.f32 v2, v3;
	v3 =	vand.u32 $0x7FFFFFFF, v4;
	v4 =	vsub.f32 v7, v11;
	v9 =	vld [tilespmem:s31+$0x10]  }
0xbb: {  	v11 =	vld [tilespmem:s31+$0x0];
	v3 =	vnsel vm4, $0x0, v3;
	v1 =	vsub.f32 v1, v8  }
0xbc: {  	v13 =	vld [tilespmem:s31+$0xFFFFFFF0];
	v2 =	vadd.f32 v3, v2;
	v3 =	vand.u32 $0x7FFFFFFF, v4;
	v4 =	vsub.f32 v6, v5  }
0xbd: {  	v10 =	vld [tilespmem:s31+$0xFFFFFFE0];
	v3 =	vnsel vm5, $0x0, v3  }
0xbe: {  	v12 =	vld [tilespmem:s31+$0xFFFFFFD0];
	v1 =	vand.u32 $0x7FFFFFFF, v1;
	v2 =	vadd.f32 v3, v2;
	v3 =	vand.u32 $0x7FFFFFFF, v4  }
0xbf: {  	v14 =	vld [tilespmem:s31+$0xFFFFFFC0];
	v1 =	vnsel vm8, $0x0, v1;
	v3 =	vnsel vm6, $0x0, v3;
	v20 =	vand.u32 $0xFFFF0000, v9  }
0xc0: {  	v21 =	vshrl.u32 v9, $0x2;
	v22 =	vshll.u32 v9, $0x3;
	v23 =	vand.u32 $0xF07F, v9  }
0xc1: {  	v15 =	vand.u32 $0xFFFF0000, v11;
	v16 =	vshll.u32 v11, $0x3;
	v24 =	vshrl.u32 v11, $0x2  }
0xc2: {  	v17 =	vand.u32 $0xFFFF0000, v13;
	v18 =	vshrl.u32 v13, $0x2;
	v25 =	vand.u32 $0xFFFF0000, v10  }
0xc3: {  	v26 =	vshrl.u32 v10, $0x2;
	v27 =	vshll.u32 v13, $0x3;
	v9 =	vand.u32 $0xFFFF0000, v12  }
0xc4: {  	v28 =	vshrl.u32 v12, $0x2;
	v29 =	vshll.u32 v10, $0x3;
	v30 =	vand.u32 $0xFFFF0000, v14  }
0xc5: {  	v31 =	vshll.u32 v14, $0x3;
	v32 =	vshll.u32 v12, $0x3;
	v33 =	vshrl.u32 v14, $0x2  }
0xc6: {  	v14 =	vand.u32 $0xF07F, v14;
	v12 =	vand.u32 $0xF07F, v12;
	v10 =	vand.u32 $0xF07F, v10  }
0xc7: {  	v13 =	vand.u32 $0xF07F, v13;
	v11 =	vand.u32 $0xF07F, v11;
	v2 =	vadd.f32 v3, v2  }
0xc8: {  	v31 =	vand.u32 $0xC00, v31;
	vm2 =	veq.s32 v30, $0x30000;
	v60 =	vand.u32 $0x380, v33  }
0xc9: {  	v61 =	vand.u32 $0xC00, v32;
	vm3 =	veq.s32 v9, $0x30000;
	v9 =	vand.u32 $0x380, v28  }
0xca: {  	v5 =	vld [tilespmem:s31+$0x30];
	vm4 =	veq.s32 v25, $0x30000;
	v62 =	vand.u32 $0x380, v26;
	v63 =	vand.u32 $0xC00, v27  }
0xcb: {  	v6 =	vld [tilespmem:s31+$0x20];
	vm5 =	veq.s32 v17, $0x30000;
	v18 =	vand.u32 $0x380, v18;
	v14 =	vor.u32 v31, v14  }
0xcc: {  	s18 =	simm.s32 $0x1040;
	v16 =	vand.u32 $0xC00, v16;
	v12 =	vor.u32 v61, v12;
	v14 =	vor.u32 v60, v14  }
0xcd: {  	v17 =	vld [tilespmem:s18+$0xFFFFFFC0];
	vm6 =	veq.s32 v15, $0x30000;
	v28 =	vor.u32 v9, v12;
	v12 =	vand.u32 $0xC00, v29  }
0xce: {  	v24 =	vand.u32 $0x380, v24;
	v15 =	vld [tilespmem:s18+$0xFFFFFFD0];
	v22 =	vand.u32 $0xC00, v22;
	v12 =	vor.u32 v12, v10  }
0xcf: {  	vm1 =	veq.s32 v20, $0x30000;
	v19 =	vand.u32 $0xFFFF0000, v5;
	v9 =	vld [tilespmem:s18+$0x20];
	v25 =	vor.u32 v62, v12  }
0xd0: {  	v3 =	vshll.u32 v5, $0x3;
	v4 =	vshrl.u32 v6, $0x2;
	v13 =	vor.u32 v63, v13;
	v10 =	vld [tilespmem:s18+$0x0]  }
0xd1: {  	v8 =	vshll.u32 v6, $0x3;
	v11 =	vor.u32 v16, v11;
	v18 =	vor.u32 v18, v13;
	v14 =	vld.idx.msk [tilespmem:v14+s11+$0x0], vm2  }
0xd2: {  	v20 =	vor.u32 v22, v23;
	v7 =	vadd.f32 v1, v2;
	v1 =	vshrl.u32 v5, $0x2;
	v12 =	vld [tilespmem:s18+$0xFFFFFFE0]  }
0xd3: {  	v2 =	vand.u32 $0xF07F, v5;
	v5 =	vand.u32 $0xFFFF0000, v6;
	v16 =	vor.u32 v24, v11;
	v13 =	vld.idx.msk [tilespmem:v28+s11+$0x0], vm3  }
0xd4: {  	s19 =	simm.s32 $0x0;
	s20 =	simm.s32 $0xC0;
	v6 =	vand.u32 $0xF07F, v6;
	vm0 =	veq.s32 v19, $0x30000;
	v19 =	vand.u32 $0x380, v21;
	v11 =	vld.idx.msk [tilespmem:v25+s11+$0x0], vm4  }
.LBB2_6:
0xd5: {  	v21 =	vld [tilespmem:s20+$0x30];
	v19 =	vor.u32 v19, v20;
	vm7 =	veq.s32 v5, $0x30000;
	v5 =	vand.u32 $0xC00, v8  }
0xd6: {  	v4 =	vand.u32 $0x380, v4;
	v8 =	vsub.f32 v14, v17;
	v14 =	vld.idx.msk [tilespmem:v18+s11+$0x0], vm5;
	v5 =	vor.u32 v5, v6  }
0xd7: {  	v3 =	vand.u32 $0xC00, v3;
	v1 =	vand.u32 $0x380, v1;
	v6 =	vld [tilespmem:s18+$0xFFFFFFF0];
	v4 =	vor.u32 v4, v5  }
0xd8: {  	v2 =	vor.u32 v3, v2;
	v5 =	vand.u32 $0x7FFFFFFF, v8;
	v8 =	vsub.f32 v13, v15;
	v13 =	vld.idx.msk [tilespmem:v16+s11+$0x0], vm6  }
0xd9: {  	v15 =	vld [tilespmem:s20+$0x20];
	v3 =	vnsel vm2, $0x0, v5;
	v5 =	vor.u32 v1, v2  }
0xda: {  	v2 =	vadd.f32 v3, v7;
	v3 =	vand.u32 $0x7FFFFFFF, v8;
	v7 =	vsub.f32 v11, v12;
	v8 =	vld.idx.msk [tilespmem:v19+s11+$0x0], vm1  }
0xdb: {  	v11 =	vand.u32 $0xFFFF0000, v21;
	v1 =	vshrl.u32 v21, $0x2;
	v3 =	vnsel vm3, $0x0, v3;
	v12 =	vld [tilespmem:s18+$0x10]  }
0xdc: {  	v16 =	vadd.f32 v3, v2;
	v7 =	vand.u32 $0x7FFFFFFF, v7;
	v6 =	vsub.f32 v14, v6;
	v14 =	vld.idx.msk [tilespmem:v4+s11+$0x0], vm7  }
0xdd: {  	v3 =	vshll.u32 v21, $0x3;
	v2 =	vand.u32 $0xF07F, v21;
	v17 =	vld [tilespmem:s20+$0x10];
	v4 =	vnsel vm4, $0x0, v7  }
0xde: {  	v10 =	vsub.f32 v13, v10;
	v7 =	vadd.f32 v4, v16;
	v6 =	vand.u32 $0x7FFFFFFF, v6;
	v13 =	vld.idx.msk [tilespmem:v5+s11+$0x0], vm0  }
0xdf: {  	v5 =	vand.u32 $0xFFFF0000, v15;
	v4 =	vshrl.u32 v15, $0x2;
	v6 =	vnsel vm5, $0x0, v6;
	v16 =	vld [tilespmem:s18+$0x30]  }
0xe0: {  	v10 =	vand.u32 $0x7FFFFFFF, v10;
	v7 =	vadd.f32 v6, v7;
	v12 =	vsub.f32 v8, v12  }
0xe1: {  	v8 =	vshll.u32 v15, $0x3;
	v6 =	vand.u32 $0xF07F, v15;
	v10 =	vnsel vm6, $0x0, v10;
	v19 =	vld [tilespmem:s20+$0x0]  }
0xe2: {  	v9 =	vsub.f32 v14, v9;
	v7 =	vadd.f32 v10, v7;
	v10 =	vand.u32 $0x7FFFFFFF, v12  }
0xe3: {  	v20 =	vand.u32 $0xFFFF0000, v17;
	v21 =	vshrl.u32 v17, $0x2;
	v14 =	vld [tilespmem:s20+$0xFFFFFFF0];
	v10 =	vnsel vm1, $0x0, v10  }
0xe4: {  	v9 =	vand.u32 $0x7FFFFFFF, v9;
	v12 =	vld [tilespmem:s20+$0xFFFFFFE0];
	v7 =	vadd.f32 v10, v7;
	v10 =	vsub.f32 v13, v16  }
0xe5: {  	v22 =	vshll.u32 v17, $0x3;
	v23 =	vand.u32 $0xF07F, v17;
	v9 =	vnsel vm7, $0x0, v9;
	v13 =	vld [tilespmem:s20+$0xFFFFFFD0]  }
0xe6: {  	s19 =	sadd.s32 $0x8, s19;
	v15 =	vld [tilespmem:s20+$0xFFFFFFC0];
	v16 =	vand.u32 $0xFFFF0000, v19;
	v7 =	vadd.f32 v9, v7;
	v9 =	vand.u32 $0x7FFFFFFF, v10  }
0xe7: {  	p0 =	slt.u32 s19, $0x70;
	v24 =	vshll.u32 v19, $0x3;
	v25 =	vshrl.u32 v19, $0x2;
	v9 =	vnsel vm0, $0x0, v9  }
0xe8: {  	v17 =	vand.u32 $0xFFFF0000, v14;
	v18 =	vshrl.u32 v14, $0x2;
	v7 =	vadd.f32 v9, v7  }
0xe9: {  	v27 =	vshll.u32 v14, $0x3;
	v10 =	vand.u32 $0xFFFF0000, v12;
	v26 =	vshrl.u32 v12, $0x2  }
0xea: {  	v29 =	vshll.u32 v12, $0x3;
	v9 =	vand.u32 $0xFFFF0000, v13;
	v28 =	vshrl.u32 v13, $0x2  }
0xeb: {  	v32 =	vshll.u32 v13, $0x3;
	v30 =	vand.u32 $0xFFFF0000, v15;
	v31 =	vshll.u32 v15, $0x3  }
0xec: {  	v33 =	vshrl.u32 v15, $0x2;
	v15 =	vand.u32 $0xF07F, v15;
	v31 =	vand.u32 $0xC00, v31  }
0xed: {  	vm2 =	veq.s32 v30, $0x30000;
	v30 =	vand.u32 $0x380, v33;
	v15 =	vor.u32 v31, v15  }
0xee: {  	v13 =	vand.u32 $0xF07F, v13;
	v15 =	vor.u32 v30, v15;
	v30 =	vand.u32 $0xC00, v32  }
0xef: {  	s18 =	sadd.s32 $0x80, s18;
	vm3 =	veq.s32 v9, $0x30000;
	v9 =	vand.u32 $0x380, v28;
	v13 =	vor.u32 v30, v13  }
0xf0: {  	v12 =	vand.u32 $0xF07F, v12;
	v28 =	vand.u32 $0xC00, v29;
	v13 =	vor.u32 v9, v13;
	v9 =	vld [tilespmem:s18+$0x20]  }
0xf1: {  	vm4 =	veq.s32 v10, $0x30000;
	v26 =	vand.u32 $0x380, v26;
	v12 =	vor.u32 v28, v12;
	v10 =	vld [tilespmem:s18+$0x0]  }
0xf2: {  	v27 =	vand.u32 $0xC00, v27;
	v28 =	vand.u32 $0xF07F, v14;
	v26 =	vor.u32 v26, v12;
	v12 =	vld [tilespmem:s18+$0xFFFFFFE0]  }
.Ltmp2:
0xf3: {  	vm5 =	veq.s32 v17, $0x30000;
	v14 =	vld.idx.msk [tilespmem:v15+s11+$0x0], vm2;
	v15 =	vand.u32 $0x380, v18;
	v18 =	vor.u32 v27, v28;
	(pc) =	sbr.rel @p0 .LBB2_6-.Ltmp2, $4  }
0xf4: {  	v19 =	vand.u32 $0xF07F, v19;
	v17 =	vld [tilespmem:s18+$0xFFFFFFC0];
	v18 =	vor.u32 v15, v18;
	v15 =	vand.u32 $0xC00, v24  }
0xf5: {  	vm6 =	veq.s32 v16, $0x30000;
	v16 =	vand.u32 $0x380, v25;
	v13 =	vld.idx.msk [tilespmem:v13+s11+$0x0], vm3;
	v19 =	vor.u32 v15, v19  }
0xf6: {  	v22 =	vand.u32 $0xC00, v22;
	vm0 =	veq.s32 v11, $0x30000;
	v15 =	vld [tilespmem:s18+$0xFFFFFFD0];
	v16 =	vor.u32 v16, v19  }
0xf7: {  	vm1 =	veq.s32 v20, $0x30000;
	v20 =	vor.u32 v22, v23;
	s20 =	sadd.s32 $0x80, s20;
	v19 =	vand.u32 $0x380, v21;
	v11 =	vld.idx.msk [tilespmem:v26+s11+$0x0], vm4  }
0xf8: {  	_ =	sdelay $0x4  }
0xf9: {  	v61 =	vld.idx.msk [tilespmem:v18+s11+$0x0], vm5  }
0xfa: {  	v19 =	vor.u32 v19, v20;
	v63 =	vld [tilespmem:s18+$0xFFFFFFF0]  }
0xfb: {  	v8 =	vand.u32 $0xC00, v8;
	vm7 =	veq.s32 v5, $0x30000;
	v21 =	vld.idx.msk [tilespmem:v16+s11+$0x0], vm6;
	v14 =	vsub.f32 v14, v17  }
0xfc: {  	v4 =	vand.u32 $0x380, v4;
	v28 =	vld [tilespmem:$0x780];
	v3 =	vand.u32 $0xC00, v3;
	v1 =	vand.u32 $0x380, v1  }
0xfd: {  	v31 =	vld [tilespmem:$0x790];
	v62 =	vor.u32 v8, v6;
	v2 =	vor.u32 v3, v2;
	v18 =	vand.u32 $0x7FFFFFFF, v14  }
0xfe: {  	v35 =	vld [tilespmem:$0x7A0];
	v4 =	vor.u32 v4, v62;
	v20 =	vsub.f32 v13, v15;
	v5 =	vnsel vm2, $0x0, v18  }
0xff: {  	v40 =	vld [tilespmem:$0x7B0];
	v1 =	vor.u32 v1, v2;
	v23 =	vsub.f32 v11, v12;
	v5 =	vadd.f32 v5, v7  }
0x100: {  	v22 =	vand.u32 $0x7FFFFFFF, v20;
	v6 =	vsub.f32 v61, v63;
	v27 =	vsub.f32 v21, v10  }
0x101: {  	v45 =	vld [tilespmem:$0x7C0];
	v32 =	vand.u32 $0xFFFF0000, v28;
	v33 =	vshll.u32 v28, $0x3;
	v34 =	vshrl.u32 v28, $0x2  }
0x102: {  	v8 =	vand.u32 $0xF07F, v28;
	v37 =	vand.u32 $0xFFFF0000, v31;
	v38 =	vshll.u32 v31, $0x3  }
0x103: {  	v39 =	vshrl.u32 v31, $0x2;
	v42 =	vand.u32 $0xFFFF0000, v35;
	v43 =	vshll.u32 v35, $0x3  }
0x104: {  	v44 =	vshrl.u32 v35, $0x2;
	v10 =	vand.u32 $0xF07F, v35;
	v47 =	vand.u32 $0xFFFF0000, v40  }
0x105: {  	v48 =	vshll.u32 v40, $0x3;
	v49 =	vshrl.u32 v40, $0x2;
	v11 =	vand.u32 $0xF07F, v40  }
0x106: {  	v52 =	vand.u32 $0xFFFF0000, v45;
	v53 =	vshll.u32 v45, $0x3;
	v7 =	vnsel vm3, $0x0, v22  }
0x107: {  	v55 =	vshrl.u32 v45, $0x2;
	v26 =	vand.u32 $0x7FFFFFFF, v23;
	v5 =	vadd.f32 v7, v5  }
0x108: {  	v12 =	vand.u32 $0xF07F, v45;
	vm11 =	veq.s32 v32, $0x30000;
	v7 =	vnsel vm4, $0x0, v26  }
0x109: {  	v36 =	vand.u32 $0x380, v34;
	v6 =	vand.u32 $0x7FFFFFFF, v6;
	v5 =	vadd.f32 v7, v5  }
0x10a: {  	v25 =	vld [tilespmem:s18+$0x10];
	vm12 =	veq.s32 v37, $0x30000;
	v41 =	vand.u32 $0x380, v39;
	v6 =	vnsel vm5, $0x0, v6  }
0x10b: {  	v24 =	vld.idx.msk [tilespmem:v19+s11+$0x0], vm1;
	v29 =	vand.u32 $0x7FFFFFFF, v27;
	v7 =	vand.u32 $0xC00, v33;
	v5 =	vadd.f32 v6, v5  }
0x10c: {  	v4 =	vld.idx.msk [tilespmem:v4+s11+$0x0], vm7;
	v3 =	vnsel vm6, $0x0, v29;
	v7 =	vor.u32 v7, v8;
	v8 =	vand.u32 $0xC00, v38  }
0x10d: {  	v6 =	vand.u32 $0xF07F, v31;
	v2 =	vadd.f32 v3, v5;
	v5 =	vor.u32 v36, v7  }
0x10e: {  	v50 =	vld [tilespmem:s18+$0x30];
	vm13 =	veq.s32 v42, $0x30000;
	v46 =	vand.u32 $0x380, v44;
	v6 =	vor.u32 v8, v6  }
0x10f: {  	vm14 =	veq.s32 v47, $0x30000;
	v1 =	vld.idx.msk [tilespmem:v1+s11+$0x0], vm0;
	v8 =	vand.u32 $0xC00, v43;
	v6 =	vor.u32 v41, v6  }
0x110: {  	v51 =	vand.u32 $0x380, v49;
	v30 =	vsub.f32 v24, v25;
	v8 =	vor.u32 v8, v10  }
0x111: {  	v54 =	vld [tilespmem:$0x1780];
	v4 =	vsub.f32 v4, v9;
	v9 =	vand.u32 $0xC00, v48;
	v7 =	vor.u32 v46, v8  }
0x112: {  	vm15 =	veq.s32 v52, $0x30000;
	v56 =	vand.u32 $0x380, v55;
	v9 =	vor.u32 v9, v11;
	v5 =	vld.idx.msk [tilespmem:v5+s11+$0x0], vm11  }
0x113: {  	v57 =	vld [tilespmem:$0x1790];
	v3 =	vand.u32 $0x7FFFFFFF, v30;
	v10 =	vand.u32 $0xC00, v53;
	v8 =	vor.u32 v51, v9  }
0x114: {  	v1 =	vsub.f32 v1, v50;
	v10 =	vor.u32 v10, v12;
	v3 =	vnsel vm1, $0x0, v3;
	v6 =	vld.idx.msk [tilespmem:v6+s11+$0x0], vm12  }
0x115: {  	v59 =	vld [tilespmem:$0x17A0];
	v9 =	vor.u32 v56, v10;
	v2 =	vadd.f32 v3, v2;
	v3 =	vand.u32 $0x7FFFFFFF, v4  }
0x116: {  	v3 =	vnsel vm7, $0x0, v3;
	v58 =	vld.idx.msk [tilespmem:v7+s11+$0x0], vm13  }
0x117: {  	v61 =	vld [tilespmem:$0x17B0];
	v1 =	vand.u32 $0x7FFFFFFF, v1;
	v2 =	vadd.f32 v3, v2;
	v3 =	vsub.f32 v5, v54  }
0x118: {  	v1 =	vnsel vm0, $0x0, v1;
	v60 =	vld.idx.msk [tilespmem:v8+s11+$0x0], vm14  }
0x119: {  	v63 =	vld [tilespmem:$0x17C0];
	v1 =	vadd.f32 v1, v2;
	v2 =	vand.u32 $0x7FFFFFFF, v3;
	v3 =	vsub.f32 v6, v57  }
0x11a: {  	v62 =	vld.idx.msk [tilespmem:v9+s11+$0x0], vm15;
	v2 =	vnsel vm11, $0x0, v2  }
0x11b: {  	v1 =	vadd.f32 v2, v1;
	v2 =	vand.u32 $0x7FFFFFFF, v3;
	v3 =	vsub.f32 v58, v59  }
0x11c: {  	v2 =	vnsel vm12, $0x0, v2  }
0x11d: {  	v1 =	vadd.f32 v2, v1;
	v2 =	vand.u32 $0x7FFFFFFF, v3;
	v3 =	vsub.f32 v60, v61  }
0x11e: {  	v2 =	vnsel vm13, $0x0, v2  }
0x11f: {  	v1 =	vadd.f32 v2, v1;
	v2 =	vand.u32 $0x7FFFFFFF, v3;
	v3 =	vsub.f32 v62, v63  }
0x120: {  	v2 =	vnsel vm14, $0x0, v2  }
0x121: {  	v1 =	vadd.f32 v2, v1;
	v2 =	vand.u32 $0x7FFFFFFF, v3  }
0x122: {  	v2 =	vnsel vm15, $0x0, v2  }
0x123: {  	s17 =	sadd.s32 $0x1, s17;
	v1 =	vadd.f32 v2, v1  }
0x124: {  	p0 =	sne.s32 s17, s10  }
.Ltmp3:
0x125: {  	[tilespmem:$0x11800] =	vst v1;
	(pc) =	sbr.rel @p0 .LBB2_1-.Ltmp3, $4  }
0x126: {  	[hbm4b:s9+s4] =	stream.linear.scatter [tilespmem:s16], [sflag:$0x3], $0x80, $0x38;
	[tilespmem:$0x11880] =	vst v63  }
0x127: {  	_ =	swait.ge [sflag:s15], $0x80  }
0x128: {  	[sflag:s15] =	ssyncset.done $0x0  }
0x129: {  	[sflag:s15] =	ssyncadd.s32 $0xFFFFFF80  }
0x12a: {  	_ =	sfence.sel $0x180000  }
0x12b: {  	[bflag:$0x0] =	sbarrier.arrive $0xFFFF  }
0x12c: {  	p0 =	sne.s32 s0, $0x0;
	_ =	strace $0x90000047  }
0x12d: {  	s0 =	sadd.s32 @!p0 $0x100000, s1;
	[bflag:$0x2] =	sbarrier.arrive $0xFFFF  }
0x12e: {  	[sflag:s0] =	ssyncadd.tile.s32 @!p0 $0x1;
	_ =	shalt  }
.Lfunc_end2:
_tile_overlayer_lowered:
.L_overlay_start_2:
0x12f: {  	(tag) =	ssettag $0x2  }
0x130: {  	s0 =	rddreg [dreg:$0x0];
	s2 =	stileid.u32  }
0x131: {  	s1 =	rddreg [dreg:$0x1];
	p0 =	sne.s32 s2, $0x0  }
0x132: {  	s3 =	rddreg [dreg:$0x2];
	[bflag:$0x3] =	sbarrier.arrive $0xFFFF;
	s2 =	simm.s32 @!p0 $0x1C03  }
0x133: {  	[timem:s3], [sflag:s2] =	dma.local @!p0 [hbm:s0], s1  }
0x134: {  	s0 =	simm.s32 @!p0 $0x3  }
0x135: {  	_ =	swait.ge @!p0 [sflag:s0], s1  }
0x136: {  	s1 =	ssub.s32 @!p0 $0x0, s1;
	[sflag:s0] =	ssyncset.done @!p0 $0x0  }
0x137: {  	[sflag:s0] =	ssyncadd.s32 @!p0 s1  }
0x138: {  	[bflag:$0x3] =	sbarrier.arrive $0xFFFF  }
0x139: {  	_ =	shalt  }

</sc_bundles>
